<compile_context>
chip_gen: v7x
topology: tpu7x:2x2x1
jax: 0.10.2.dev20260603
libtpu: 0.0.44.dev20260713+nightly
codegen_flags: <defaults>
</compile_context>

<pallas_src>
import functools
import jax
import jax.numpy as jnp
from jax import lax
from jax.experimental import pallas as pl
from jax.experimental.pallas import tpu as pltpu
from jax.experimental.pallas import tpu_sc as plsc

_N, _E, _D, _ED, _B = 10000, 320000, 128, 20, 64
_K = 80
_NW = 32
_EPW = _E // _NW
_NCHUNK = _EPW // _K
_NSUB = 16
_ROWS = _N // _NSUB
_NB = 2000
_EB = 4000


def _dot(a, b):
    return lax.dot_general(a, b, (((1,), (0,)), ((), ())),
                           preferred_element_type=jnp.float32)


def _uv_body(nf_ref, wm1_ref, u_ref, v_ref):
    nf = nf_ref[...]
    u_ref[...] = _dot(nf, wm1_ref[0:_D, :])
    v_ref[...] = _dot(nf, wm1_ref[_D:2 * _D, :])


def _uv(nf, wm1):
    return pl.pallas_call(
        _uv_body,
        grid=(_N // _NB,),
        in_specs=[pl.BlockSpec((_NB, _D), lambda i: (i, 0)),
                  pl.BlockSpec((3 * _D, _D), lambda i: (0, 0))],
        out_specs=[pl.BlockSpec((_NB, _D), lambda i: (i, 0)),
                   pl.BlockSpec((_NB, _D), lambda i: (i, 0))],
        out_shape=[jax.ShapeDtypeStruct((_N, _D), jnp.float32),
                   jax.ShapeDtypeStruct((_N, _D), jnp.float32)],
    )(nf, wm1)


def _edge_body(ea_ref, wee1_ref, bee1_ref, wee2_ref, bee2_ref, wm1_ref,
               bm1_ref, c_ref):
    wm1c = wm1_ref[2 * _D:3 * _D, :]
    wc = _dot(wee2_ref[...], wm1c)
    bc = _dot(bee2_ref[...], wm1c) + bm1_ref[...]
    h1 = jax.nn.silu(_dot(ea_ref[...], wee1_ref[...]) + bee1_ref[...])
    c_ref[...] = _dot(h1, wc) + bc


def _edge(ea, wee1, bee1, wee2, bee2, wm1, bm1):
    full = lambda shape: pl.BlockSpec(shape, lambda i: tuple(0 for _ in shape))
    return pl.pallas_call(
        _edge_body,
        grid=(_E // _EB,),
        in_specs=[pl.BlockSpec((_EB, _ED), lambda i: (i, 0)),
                  full((_ED, _D)), full((1, _D)), full((_D, _D)),
                  full((1, _D)), full((3 * _D, _D)), full((1, _D))],
        out_specs=pl.BlockSpec((_EB, _D), lambda i: (i, 0)),
        out_shape=jax.ShapeDtypeStruct((_E, _D), jnp.float32),
    )(ea, wee1, bee1, wee2, bee2, wm1, bm1)


_sc_mesh = plsc.VectorSubcoreMesh(core_axis_name="c", subcore_axis_name="s")


@functools.partial(
    pl.kernel,
    mesh=_sc_mesh,
    compiler_params=pltpu.CompilerParams(use_tc_tiling_on_sc=False),
    out_type=jax.ShapeDtypeStruct((2, _N, _D), jnp.float32),
    scratch_types=[
        pltpu.VMEM((_K,), jnp.int32),
        pltpu.VMEM((_K,), jnp.int32),
        pltpu.VMEM((_K, _D), jnp.float32),
        pltpu.VMEM((_K, _D), jnp.float32),
        pltpu.VMEM((_K, _D), jnp.float32),
        pltpu.VMEM((_K, _D), jnp.float32),
        pltpu.VMEM_SHARED((_N, _D), jnp.float32),
        pltpu.SemaphoreType.DMA,
        pltpu.SemaphoreType.DMA,
        pltpu.SemaphoreType.DMA,
    ],
)
def _sc_agg(u_hbm, v_hbm, c_hbm, src_hbm, dst_hbm, z_hbm, out_hbm,
            idx_s, idx_d, gu, gv, cb, sbuf, p_sh, sem_u, sem_v, sem_c):
    cid = lax.axis_index("c")
    sid = lax.axis_index("s")
    wid = sid * 2 + cid

    pltpu.sync_copy(z_hbm.at[pl.ds(sid * _ROWS, _ROWS)],
                    p_sh.at[pl.ds(sid * _ROWS, _ROWS)])
    plsc.subcore_barrier()

    ebase = wid * _EPW

    def _chunk(t, carry):
        base = ebase + t * _K
        pltpu.sync_copy(src_hbm.at[pl.ds(base, _K)], idx_s)
        pltpu.sync_copy(dst_hbm.at[pl.ds(base, _K)], idx_d)
        cp_u = pltpu.async_copy(u_hbm.at[idx_d], gu, sem_u)
        cp_v = pltpu.async_copy(v_hbm.at[idx_s], gv, sem_v)
        cp_c = pltpu.async_copy(c_hbm.at[pl.ds(base, _K)], cb, sem_c)
        cp_u.wait()
        cp_v.wait()
        cp_c.wait()

        def _row(i, rcarry):
            for j in range(_D // 16):
                sl = pl.ds(16 * j, 16)
                x = gu[i, sl] + gv[i, sl] + cb[i, sl]
                sbuf[i, sl] = x / (1.0 + jnp.exp(-x))
            return rcarry

        lax.fori_loop(0, _K, _row, 0)
        pltpu.sync_copy(sbuf, p_sh.at[idx_d], add=True)
        return carry

    lax.fori_loop(0, _NCHUNK, _chunk, 0)
    plsc.subcore_barrier()
    pltpu.sync_copy(p_sh.at[pl.ds(sid * _ROWS, _ROWS)],
                    out_hbm.at[cid, pl.ds(sid * _ROWS, _ROWS)])


@functools.partial(
    pl.kernel,
    mesh=_sc_mesh,
    compiler_params=pltpu.CompilerParams(use_tc_tiling_on_sc=False),
    out_type=jax.ShapeDtypeStruct((2, _N, 16), jnp.float32),
    scratch_types=[
        pltpu.VMEM((_K,), jnp.int32),
        pltpu.VMEM((_K, 16), jnp.float32),
        pltpu.VMEM_SHARED((_N, 16), jnp.float32),
    ],
)
def _sc_deg(dst_hbm, z_hbm, ones_hbm, out_hbm, idx_d, ones_v, d_sh):
    cid = lax.axis_index("c")
    sid = lax.axis_index("s")
    wid = sid * 2 + cid

    pltpu.sync_copy(z_hbm.at[pl.ds(sid * _ROWS, _ROWS)],
                    d_sh.at[pl.ds(sid * _ROWS, _ROWS)])
    pltpu.sync_copy(ones_hbm, ones_v)
    plsc.subcore_barrier()

    ebase = wid * _EPW

    def _chunk(t, carry):
        base = ebase + t * _K
        pltpu.sync_copy(dst_hbm.at[pl.ds(base, _K)], idx_d)
        pltpu.sync_copy(ones_v, d_sh.at[idx_d], add=True)
        return carry

    lax.fori_loop(0, _NCHUNK, _chunk, 0)
    plsc.subcore_barrier()
    pltpu.sync_copy(d_sh.at[pl.ds(sid * _ROWS, _ROWS)],
                    out_hbm.at[cid, pl.ds(sid * _ROWS, _ROWS)])


def _node_body(pp_ref, dg_ref, nf_ref, b3_ref, lat_ref, wm2_ref, bm2_ref,
               wu1_ref, bu1_ref, wu2_ref, bu2_ref, wla_ref, bla_ref, wal_ref,
               bal_ref, lnnw_ref, lnnb_ref, lnlw_ref, lnlb_ref,
               nfo_ref, seg_ref, lato_ref):
    P = pp_ref[0, :, :] + pp_ref[1, :, :]
    deg = dg_ref[0, :, 0:1] + dg_ref[1, :, 0:1]
    aggr = _dot(P, wm2_ref[...]) + deg * bm2_ref[...]
    nf = nf_ref[...]
    h = jax.nn.silu(_dot(nf, wu1_ref[0:_D, :]) +
                    _dot(aggr, wu1_ref[_D:2 * _D, :]) + bu1_ref[...])
    upd = _dot(h, wu2_ref[...]) + bu2_ref[...]
    lat9 = lat_ref[...]
    lat_info = _dot(lat9, wla_ref[...]) + bla_ref[...]
    bvec = b3_ref[0, 0, :]
    oh = (bvec[:, None] ==
          lax.broadcasted_iota(jnp.int32, (_NB, _B), 1)).astype(jnp.float32)
    nf2 = nf + upd + _dot(oh, lat_info)
    m = jnp.mean(nf2, axis=-1, keepdims=True)
    var = jnp.mean((nf2 - m) * (nf2 - m), axis=-1, keepdims=True)
    nfo_ref[...] = (nf2 - m) / jnp.sqrt(var + 1e-5) * lnnw_ref[...] + lnnb_ref[...]

    ext = jnp.concatenate([nf2, jnp.ones_like(nf2)], axis=1)
    contrib = lax.dot_general(oh, ext, (((0,), (0,)), ((), ())),
                              preferred_element_type=jnp.float32)

    @pl.when(pl.program_id(0) == 0)
    def _():
        seg_ref[...] = jnp.zeros_like(seg_ref)

    seg_ref[...] += contrib

    @pl.when(pl.program_id(0) == pl.num_programs(0) - 1)
    def _():
        seg = seg_ref[...]
        cnt = jnp.clip(seg[:, _D:_D + 1], 1.0, None)
        atom = seg[:, 0:_D] / cnt
        lat2 = lat9 + _dot(atom, wal_ref[...]) + bal_ref[...]
        m2 = jnp.mean(lat2, axis=-1, keepdims=True)
        v2 = jnp.mean((lat2 - m2) * (lat2 - m2), axis=-1, keepdims=True)
        lato_ref[...] = (lat2 - m2) / jnp.sqrt(v2 + 1e-5) * lnlw_ref[...] + lnlb_ref[...]


def _node(pp, dg, nf, b3, lat9, wm2, bm2, wu1, bu1, wu2, bu2, wla, bla, wal,
          bal, lnnw, lnnb, lnlw, lnlb):
    full = lambda shape: pl.BlockSpec(shape, lambda i: tuple(0 for _ in shape))
    return pl.pallas_call(
        _node_body,
        grid=(_N // _NB,),
        in_specs=[pl.BlockSpec((2, _NB, _D), lambda i: (0, i, 0)),
                  pl.BlockSpec((2, _NB, 16), lambda i: (0, i, 0)),
                  pl.BlockSpec((_NB, _D), lambda i: (i, 0)),
                  pl.BlockSpec((1, 1, _NB), lambda i: (i, 0, 0)),
                  full((_B, 9)),
                  full((_D, _D)), full((1, _D)),
                  full((2 * _D, _D)), full((1, _D)),
                  full((_D, _D)), full((1, _D)),
                  full((9, _D)), full((1, _D)),
                  full((_D, 9)), full((1, 9)),
                  full((1, _D)), full((1, _D)), full((1, 9)), full((1, 9))],
        out_specs=[pl.BlockSpec((_NB, _D), lambda i: (i, 0)),
                   pl.BlockSpec((_B, 2 * _D), lambda i: (0, 0)),
                   pl.BlockSpec((_B, 9), lambda i: (0, 0))],
        out_shape=[jax.ShapeDtypeStruct((_N, _D), jnp.float32),
                   jax.ShapeDtypeStruct((_B, 2 * _D), jnp.float32),
                   jax.ShapeDtypeStruct((_B, 9), jnp.float32)],
    )(pp, dg, nf, b3, lat9, wm2, bm2, wu1, bu1, wu2, bu2, wla, bla, wal, bal,
      lnnw, lnnb, lnlw, lnlb)


def kernel(node_features, edge_index, edge_attr, lattice, batch,
           W_ee1, b_ee1, W_ee2, b_ee2, W_m1, b_m1, W_m2, b_m2,
           W_u1, b_u1, W_u2, b_u2, W_la, b_la, W_al, b_al,
           ln_n_w, ln_n_b, ln_l_w, ln_l_b):
    r = lambda x: x.reshape(1, -1)
    src = edge_index[0]
    dst = edge_index[1]
    lat9 = lattice.reshape(_B, 9)
    u, v = _uv(node_features, W_m1)
    c = _edge(edge_attr, W_ee1, r(b_ee1), W_ee2, r(b_ee2), W_m1, r(b_m1))
    zinit = jnp.zeros((_N, _D), jnp.float32)
    z16 = jnp.zeros((_N, 16), jnp.float32)
    ones16 = jnp.ones((_K, 16), jnp.float32)
    pp = _sc_agg(u, v, c, src, dst, zinit)
    dg = _sc_deg(dst, z16, ones16)
    b3 = batch.reshape(_N // _NB, 1, _NB)
    nf_out, _, lat_out = _node(pp, dg, node_features, b3, lat9, W_m2, r(b_m2),
                               W_u1, r(b_u1), W_u2, r(b_u2), W_la, r(b_la),
                               W_al, r(b_al), r(ln_n_w), r(ln_n_b),
                               r(ln_l_w), r(ln_l_b))
    return nf_out, lat_out.reshape(_B, 3, 3)

# --- scband reference (transcript-rebuilt; emitter-appended) ---
"""Pipeline reference for scband-csplayer-43473658970185 (READ-ONLY COPY).

The authoritative reference and input builder live on the scoring server;
editing this copy changes nothing except your own understanding.
"""

import jax, jax.numpy as jnp
import numpy as np

N, E, D, ED, B = 10000, 320000, 128, 20, 64

def _mlp2(x, W1, b1, W2, b2):
    return jax.nn.silu(x @ W1 + b1) @ W2 + b2

def _ln(x, w, b, eps=1e-5):
    m = jnp.mean(x, axis=-1, keepdims=True)
    v = jnp.var(x, axis=-1, keepdims=True)
    return (x - m) / jnp.sqrt(v + eps) * w + b

def setup_inputs(seed: int = 0):
    key = jax.random.key(seed)
    ks = jax.random.split(key, 16)
    def lin(k, fin, fout):
        k1, k2 = jax.random.split(k)
        s = 1.0 / np.sqrt(fin)
        return (jax.random.uniform(k1, (fin, fout), jnp.float32, -s, s),
                jax.random.uniform(k2, (fout,), jnp.float32, -s, s))
    W_ee1, b_ee1 = lin(ks[0], ED, D)
    W_ee2, b_ee2 = lin(ks[1], D, D)
    W_m1, b_m1 = lin(ks[2], 3 * D, D)
    W_m2, b_m2 = lin(ks[3], D, D)
    W_u1, b_u1 = lin(ks[4], 2 * D, D)
    W_u2, b_u2 = lin(ks[5], D, D)
    W_la, b_la = lin(ks[6], 9, D)
    W_al, b_al = lin(ks[7], D, 9)
    return {
        "node_features": jax.random.normal(ks[8], (N, D), jnp.float32),
        "edge_index": jax.random.randint(ks[9], (2, E), 0, N, jnp.int32),
        "edge_attr": jax.random.normal(ks[10], (E, ED), jnp.float32),
        "lattice": jax.random.normal(ks[11], (B, 3, 3), jnp.float32),
        "batch": jnp.sort(jax.random.randint(ks[12], (N,), 0, B, jnp.int32)),
        "W_ee1": W_ee1, "b_ee1": b_ee1, "W_ee2": W_ee2, "b_ee2": b_ee2,
        "W_m1": W_m1, "b_m1": b_m1, "W_m2": W_m2, "b_m2": b_m2,
        "W_u1": W_u1, "b_u1": b_u1, "W_u2": W_u2, "b_u2": b_u2,
        "W_la": W_la, "b_la": b_la, "W_al": W_al, "b_al": b_al,
        "ln_n_w": jnp.ones((D,), jnp.float32), "ln_n_b": jnp.zeros((D,), jnp.float32),
        "ln_l_w": jnp.ones((9,), jnp.float32), "ln_l_b": jnp.zeros((9,), jnp.float32),
    }

def reference(node_features, edge_index, edge_attr, lattice, batch,
              W_ee1, b_ee1, W_ee2, b_ee2,
              W_m1, b_m1, W_m2, b_m2,
              W_u1, b_u1, W_u2, b_u2,
              W_la, b_la, W_al, b_al,
              ln_n_w, ln_n_b, ln_l_w, ln_l_b):
    # CSPMessagePassing (aggr='add'): PyG convention edge_index[0]=src (j), edge_index[1]=dst (i)
    edge_features = _mlp2(edge_attr, W_ee1, b_ee1, W_ee2, b_ee2)
    src = edge_index[0]
    dst = edge_index[1]
    x_i = jnp.take(node_features, dst, axis=0)
    x_j = jnp.take(node_features, src, axis=0)
    msg = _mlp2(jnp.concatenate([x_i, x_j, edge_features], axis=-1), W_m1, b_m1, W_m2, b_m2)
    aggr = jax.ops.segment_sum(msg, dst, num_segments=N)
    upd = _mlp2(jnp.concatenate([node_features, aggr], axis=-1), W_u1, b_u1, W_u2, b_u2)
    nf = node_features + upd  # residual in CSPMessagePassing.forward
    # CSPLayer: lattice <-> atom coupling
    lat_flat = lattice.reshape(B, 9)
    lattice_info = lat_flat @ W_la + b_la
    nf = nf + jnp.take(lattice_info, batch, axis=0)
    cnt = jax.ops.segment_sum(jnp.ones((N,), jnp.float32), batch, num_segments=B)
    atom_info = jax.ops.segment_sum(nf, batch, num_segments=B) / jnp.clip(cnt, 1.0, None)[:, None]
    lat_flat = lat_flat + (atom_info @ W_al + b_al)
    nf = _ln(nf, ln_n_w, ln_n_b)
    lat_flat = _ln(lat_flat, ln_l_w, ln_l_b)
    return nf, lat_flat.reshape(B, 3, 3)

if __name__ == "__main__":
    import jax
    _d = setup_inputs()
    print(jax.jit(kernel)(*tuple(_d.values())))

</pallas_src>

<mosaic_0001>
#map = affine_map<(d0, d1) -> (0, 0)>
#map1 = affine_map<(d0, d1) -> (0)>
#map2 = affine_map<(d0, d1) -> (0, 0, 0)>
module attributes {stable_mosaic.version = 14 : i64} {
  func.func @_sc_agg(%arg0: i32, %arg1: i32, %arg2: memref<10000x128xf32, #tpu.memory_space<hbm>>, %arg3: memref<10000x128xf32, #tpu.memory_space<hbm>>, %arg4: memref<320000x128xf32, #tpu.memory_space<hbm>>, %arg5: memref<320000xi32, #tpu.memory_space<hbm>>, %arg6: memref<320000xi32, #tpu.memory_space<hbm>>, %arg7: memref<10000x128xf32, #tpu.memory_space<hbm>>, %arg8: memref<2x10000x128xf32, #tpu.memory_space<hbm>>, %arg9: memref<80xi32, #tpu.memory_space<vmem>>, %arg10: memref<80xi32, #tpu.memory_space<vmem>>, %arg11: memref<80x128xf32, #tpu.memory_space<vmem>>, %arg12: memref<80x128xf32, #tpu.memory_space<vmem>>, %arg13: memref<80x128xf32, #tpu.memory_space<vmem>>, %arg14: memref<80x128xf32, #tpu.memory_space<vmem>>, %arg15: memref<10000x128xf32, #tpu.memory_space<vmem_shared>>, %arg16: memref<!tpu.dma_semaphore, #tpu.memory_space<semaphore_mem>>, %arg17: memref<!tpu.dma_semaphore, #tpu.memory_space<semaphore_mem>>, %arg18: memref<!tpu.dma_semaphore, #tpu.memory_space<semaphore_mem>>) attributes {dimension_semantics = [#tpu.dimension_semantics<core_parallel>, #tpu.dimension_semantics<subcore_parallel>], iteration_bounds = array<i64: 2, 16>, scalar_prefetch = 0 : i64, scratch_operands = 10 : i64, tpu.core_type = #tpu.core_type<sc_vector_subcore>, window_params = [{transform_indices = #map}, {transform_indices = #map}, {transform_indices = #map}, {transform_indices = #map1}, {transform_indices = #map1}, {transform_indices = #map}, {transform_indices = #map2}]} {
    %mul3A = arith.constant 2 : i32
    %mul3A_0 = arith.muli %arg1, %mul3A : i32
    %add3A = arith.addi %mul3A_0, %arg0 : i32
    %mul3A_1 = arith.constant 625 : i32
    %mul3A_2 = arith.muli %arg1, %mul3A_1 : i32
    %mul3A_3 = arith.constant 625 : i32
    %mul3A_4 = arith.muli %arg1, %mul3A_3 : i32
    "tpu.region"() ({
      %run_scoped3A = tpu.sem_alloc : memref<!tpu.dma_semaphore, #tpu.memory_space<semaphore_mem>>
      %dma_start3A = arith.constant 0 : i32
      %dma_start3A_17 = tpu.memref_slice %arg15[%mul3A_4, %dma_start3A] : memref<10000x128xf32, #tpu.memory_space<vmem_shared>> -> memref<625x128xf32, #tpu.memory_space<vmem_shared>>
      %dma_start3A_18 = arith.constant 0 : i32
      %dma_start3A_19 = tpu.memref_slice %arg7[%mul3A_2, %dma_start3A_18] : memref<10000x128xf32, #tpu.memory_space<hbm>> -> memref<625x128xf32, #tpu.memory_space<hbm>>
      tpu.enqueue_dma source(%dma_start3A_19 : memref<625x128xf32, #tpu.memory_space<hbm>>) target(%dma_start3A_17 : memref<625x128xf32, #tpu.memory_space<vmem_shared>>) target_semaphore(%run_scoped3A : memref<!tpu.dma_semaphore, #tpu.memory_space<semaphore_mem>>)
      %dma_wait3A = arith.constant 0 : i32
      %dma_wait3A_20 = tpu.memref_slice %arg15[%mul3A_4, %dma_wait3A] : memref<10000x128xf32, #tpu.memory_space<vmem_shared>> -> memref<625x128xf32, #tpu.memory_space<vmem_shared>>
      %dma_wait3A_21 = arith.constant 0 : i32
      %dma_wait3A_22 = tpu.memref_slice %arg7[%mul3A_2, %dma_wait3A_21] : memref<10000x128xf32, #tpu.memory_space<hbm>> -> memref<625x128xf32, #tpu.memory_space<hbm>>
      tpu.wait_dma2 semaphore(%run_scoped3A : memref<!tpu.dma_semaphore, #tpu.memory_space<semaphore_mem>>) src(%dma_wait3A_22 : memref<625x128xf32, #tpu.memory_space<hbm>>) dst(%dma_wait3A_20 : memref<625x128xf32, #tpu.memory_space<vmem_shared>>)
      tpu.yield
    }) : () -> ()
    %barrier3A = arith.constant 0 : index
    tpu.barrier barrier_id(%barrier3A)
    %mul3A_5 = arith.constant 10000 : i32
    %mul3A_6 = arith.muli %add3A, %mul3A_5 : i32
    %scan3A = arith.constant 0 : i32
    %scan3A_7 = arith.constant 0 : i32
    %scan3A_8 = arith.constant 125 : i32
    %scan3A_9 = arith.addi %scan3A_7, %scan3A_8 : i32
    %scan3A_10 = arith.constant 1 : i32
    scf.for %scan3A_17 = %scan3A_7 to %scan3A_9 step %scan3A_10  : i32 {
      %mul3A_18 = arith.constant 80 : i32
      %mul3A_19 = arith.muli %scan3A_17, %mul3A_18 : i32
      %add3A_20 = arith.addi %mul3A_6, %mul3A_19 : i32
      "tpu.region"() ({
        %run_scoped3A = tpu.sem_alloc : memref<!tpu.dma_semaphore, #tpu.memory_space<semaphore_mem>>
        %dma_start3A_45 = tpu.memref_slice %arg5[%add3A_20] : memref<320000xi32, #tpu.memory_space<hbm>> -> memref<80xi32, #tpu.memory_space<hbm>>
        %dma_start3A_46 = tpu.memref_slice %arg5[%add3A_20] : memref<320000xi32, #tpu.memory_space<hbm>> -> memref<80xi32, #tpu.memory_space<hbm>>
        tpu.enqueue_dma source(%dma_start3A_46 : memref<80xi32, #tpu.memory_space<hbm>>) target(%arg9 : memref<80xi32, #tpu.memory_space<vmem>>) target_semaphore(%run_scoped3A : memref<!tpu.dma_semaphore, #tpu.memory_space<semaphore_mem>>)
        %dma_wait3A_47 = tpu.memref_slice %arg5[%add3A_20] : memref<320000xi32, #tpu.memory_space<hbm>> -> memref<80xi32, #tpu.memory_space<hbm>>
        %dma_wait3A_48 = tpu.memref_slice %arg5[%add3A_20] : memref<320000xi32, #tpu.memory_space<hbm>> -> memref<80xi32, #tpu.memory_space<hbm>>
        tpu.wait_dma2 semaphore(%run_scoped3A : memref<!tpu.dma_semaphore, #tpu.memory_space<semaphore_mem>>) src(%dma_wait3A_48 : memref<80xi32, #tpu.memory_space<hbm>>) dst(%arg9 : memref<80xi32, #tpu.memory_space<vmem>>)
        tpu.yield
      }) : () -> ()
      "tpu.region"() ({
        %run_scoped3A = tpu.sem_alloc : memref<!tpu.dma_semaphore, #tpu.memory_space<semaphore_mem>>
        %dma_start3A_45 = tpu.memref_slice %arg6[%add3A_20] : memref<320000xi32, #tpu.memory_space<hbm>> -> memref<80xi32, #tpu.memory_space<hbm>>
        %dma_start3A_46 = tpu.memref_slice %arg6[%add3A_20] : memref<320000xi32, #tpu.memory_space<hbm>> -> memref<80xi32, #tpu.memory_space<hbm>>
        tpu.enqueue_dma source(%dma_start3A_46 : memref<80xi32, #tpu.memory_space<hbm>>) target(%arg10 : memref<80xi32, #tpu.memory_space<vmem>>) target_semaphore(%run_scoped3A : memref<!tpu.dma_semaphore, #tpu.memory_space<semaphore_mem>>)
        %dma_wait3A_47 = tpu.memref_slice %arg6[%add3A_20] : memref<320000xi32, #tpu.memory_space<hbm>> -> memref<80xi32, #tpu.memory_space<hbm>>
        %dma_wait3A_48 = tpu.memref_slice %arg6[%add3A_20] : memref<320000xi32, #tpu.memory_space<hbm>> -> memref<80xi32, #tpu.memory_space<hbm>>
        tpu.wait_dma2 semaphore(%run_scoped3A : memref<!tpu.dma_semaphore, #tpu.memory_space<semaphore_mem>>) src(%dma_wait3A_48 : memref<80xi32, #tpu.memory_space<hbm>>) dst(%arg10 : memref<80xi32, #tpu.memory_space<vmem>>)
        tpu.yield
      }) : () -> ()
      %dma_start3A = arith.constant 0 : i32
      %dma_start3A_21 = arith.constant 0 : i32
      %dma_start3A_22 = tpu.memref_slice %arg2[%dma_start3A, %dma_start3A_21] : memref<10000x128xf32, #tpu.memory_space<hbm>> -> memref<10000x128xf32, #tpu.memory_space<hbm>>
      tpu.enqueue_indirect_dma source(%dma_start3A_22 : memref<10000x128xf32, #tpu.memory_space<hbm>>) target(%arg11 : memref<80x128xf32, #tpu.memory_space<vmem>>) offsets(%arg10 : memref<80xi32, #tpu.memory_space<vmem>>) semaphore(%arg16 : memref<!tpu.dma_semaphore, #tpu.memory_space<semaphore_mem>>)
      %dma_start3A_23 = arith.constant 0 : i32
      %dma_start3A_24 = arith.constant 0 : i32
      %dma_start3A_25 = tpu.memref_slice %arg3[%dma_start3A_23, %dma_start3A_24] : memref<10000x128xf32, #tpu.memory_space<hbm>> -> memref<10000x128xf32, #tpu.memory_space<hbm>>
      tpu.enqueue_indirect_dma source(%dma_start3A_25 : memref<10000x128xf32, #tpu.memory_space<hbm>>) target(%arg12 : memref<80x128xf32, #tpu.memory_space<vmem>>) offsets(%arg9 : memref<80xi32, #tpu.memory_space<vmem>>) semaphore(%arg17 : memref<!tpu.dma_semaphore, #tpu.memory_space<semaphore_mem>>)
      %dma_start3A_26 = arith.constant 0 : i32
      %dma_start3A_27 = tpu.memref_slice %arg4[%add3A_20, %dma_start3A_26] : memref<320000x128xf32, #tpu.memory_space<hbm>> -> memref<80x128xf32, #tpu.memory_space<hbm>>
      %dma_start3A_28 = arith.constant 0 : i32
      %dma_start3A_29 = tpu.memref_slice %arg4[%add3A_20, %dma_start3A_28] : memref<320000x128xf32, #tpu.memory_space<hbm>> -> memref<80x128xf32, #tpu.memory_space<hbm>>
      tpu.enqueue_dma source(%dma_start3A_29 : memref<80x128xf32, #tpu.memory_space<hbm>>) target(%arg13 : memref<80x128xf32, #tpu.memory_space<vmem>>) target_semaphore(%arg18 : memref<!tpu.dma_semaphore, #tpu.memory_space<semaphore_mem>>)
      %dma_wait3A = arith.constant 0 : i32
      %dma_wait3A_30 = arith.constant 0 : i32
      %dma_wait3A_31 = tpu.memref_slice %arg2[%dma_wait3A, %dma_wait3A_30] : memref<10000x128xf32, #tpu.memory_space<hbm>> -> memref<10000x128xf32, #tpu.memory_space<hbm>>
      tpu.wait_indirect_dma semaphore(%arg16 : memref<!tpu.dma_semaphore, #tpu.memory_space<semaphore_mem>>) src(%dma_wait3A_31 : memref<10000x128xf32, #tpu.memory_space<hbm>>) dst(%arg11 : memref<80x128xf32, #tpu.memory_space<vmem>>)
      %dma_wait3A_32 = arith.constant 0 : i32
      %dma_wait3A_33 = arith.constant 0 : i32
      %dma_wait3A_34 = tpu.memref_slice %arg3[%dma_wait3A_32, %dma_wait3A_33] : memref<10000x128xf32, #tpu.memory_space<hbm>> -> memref<10000x128xf32, #tpu.memory_space<hbm>>
      tpu.wait_indirect_dma semaphore(%arg17 : memref<!tpu.dma_semaphore, #tpu.memory_space<semaphore_mem>>) src(%dma_wait3A_34 : memref<10000x128xf32, #tpu.memory_space<hbm>>) dst(%arg12 : memref<80x128xf32, #tpu.memory_space<vmem>>)
      %dma_wait3A_35 = arith.constant 0 : i32
      %dma_wait3A_36 = tpu.memref_slice %arg4[%add3A_20, %dma_wait3A_35] : memref<320000x128xf32, #tpu.memory_space<hbm>> -> memref<80x128xf32, #tpu.memory_space<hbm>>
      %dma_wait3A_37 = arith.constant 0 : i32
      %dma_wait3A_38 = tpu.memref_slice %arg4[%add3A_20, %dma_wait3A_37] : memref<320000x128xf32, #tpu.memory_space<hbm>> -> memref<80x128xf32, #tpu.memory_space<hbm>>
      tpu.wait_dma2 semaphore(%arg18 : memref<!tpu.dma_semaphore, #tpu.memory_space<semaphore_mem>>) src(%dma_wait3A_38 : memref<80x128xf32, #tpu.memory_space<hbm>>) dst(%arg13 : memref<80x128xf32, #tpu.memory_space<vmem>>)
      %scan3A_39 = arith.constant 0 : i32
      %scan3A_40 = arith.constant 0 : i32
      %scan3A_41 = arith.constant 80 : i32
      %scan3A_42 = arith.addi %scan3A_40, %scan3A_41 : i32
      %scan3A_43 = arith.constant 1 : i32
      scf.for %scan3A_45 = %scan3A_40 to %scan3A_42 step %scan3A_43  : i32 {
        %get3A = arith.index_cast %scan3A_45 : i32 to index
        %get3A_46 = arith.constant 0 : index
        %get3A_47 = tpu.vector_load %arg11[%get3A, %get3A_46] {strides = array<i32>} : memref<80x128xf32, #tpu.memory_space<vmem>>, vector<1x16xf32>,
        %get3A_48 = vector.shape_cast %get3A_47 : vector<1x16xf32> to vector<16xf32>
        %get3A_49 = arith.index_cast %scan3A_45 : i32 to index
        %get3A_50 = arith.constant 0 : index
        %get3A_51 = tpu.vector_load %arg12[%get3A_49, %get3A_50] {strides = array<i32>} : memref<80x128xf32, #tpu.memory_space<vmem>>, vector<1x16xf32>,
        %get3A_52 = vector.shape_cast %get3A_51 : vector<1x16xf32> to vector<16xf32>
        %add3A_53 = arith.addf %get3A_48, %get3A_52 : vector<16xf32>
        %get3A_54 = arith.index_cast %scan3A_45 : i32 to index
        %get3A_55 = arith.constant 0 : index
        %get3A_56 = tpu.vector_load %arg13[%get3A_54, %get3A_55] {strides = array<i32>} : memref<80x128xf32, #tpu.memory_space<vmem>>, vector<1x16xf32>,
        %get3A_57 = vector.shape_cast %get3A_56 : vector<1x16xf32> to vector<16xf32>
        %add3A_58 = arith.addf %add3A_53, %get3A_57 : vector<16xf32>
        %neg3A = arith.constant 0.000000e+00 : f32
        %neg3A_59 = vector.broadcast %neg3A : f32 to vector<16xf32>
        %neg3A_60 = arith.subf %neg3A_59, %add3A_58 : vector<16xf32>
        %exp3A = math.exp %neg3A_60 : vector<16xf32>
        %add3A_61 = arith.constant 1.000000e+00 : f32
        %add3A_62 = vector.broadcast %add3A_61 : f32 to vector<16xf32>
        %add3A_63 = arith.addf %add3A_62, %exp3A : vector<16xf32>
        %div3A = arith.divf %add3A_58, %add3A_63 : vector<16xf32>
        %swap3A = arith.index_cast %scan3A_45 : i32 to index
        %swap3A_64 = arith.constant 0 : index
        %swap3A_65 = tpu.vector_load %arg14[%swap3A, %swap3A_64] {strides = array<i32>} : memref<80x128xf32, #tpu.memory_space<vmem>>, vector<1x16xf32>,
        %swap3A_66 = vector.shape_cast %swap3A_65 : vector<1x16xf32> to vector<16xf32>
        %swap3A_67 = vector.shape_cast %div3A : vector<16xf32> to vector<1x16xf32>
        tpu.vector_store %arg14[%swap3A, %swap3A_64], %swap3A_67 {strides = array<i32>} : memref<80x128xf32, #tpu.memory_space<vmem>>, vector<1x16xf32>,
        %get3A_68 = arith.index_cast %scan3A_45 : i32 to index
        %get3A_69 = arith.constant 16 : index
        %get3A_70 = tpu.vector_load %arg11[%get3A_68, %get3A_69] {strides = array<i32>} : memref<80x128xf32, #tpu.memory_space<vmem>>, vector<1x16xf32>,
        %get3A_71 = vector.shape_cast %get3A_70 : vector<1x16xf32> to vector<16xf32>
        %get3A_72 = arith.index_cast %scan3A_45 : i32 to index
        %get3A_73 = arith.constant 16 : index
        %get3A_74 = tpu.vector_load %arg12[%get3A_72, %get3A_73] {strides = array<i32>} : memref<80x128xf32, #tpu.memory_space<vmem>>, vector<1x16xf32>,
        %get3A_75 = vector.shape_cast %get3A_74 : vector<1x16xf32> to vector<16xf32>
        %add3A_76 = arith.addf %get3A_71, %get3A_75 : vector<16xf32>
        %get3A_77 = arith.index_cast %scan3A_45 : i32 to index
        %get3A_78 = arith.constant 16 : index
        %get3A_79 = tpu.vector_load %arg13[%get3A_77, %get3A_78] {strides = array<i32>} : memref<80x128xf32, #tpu.memory_space<vmem>>, vector<1x16xf32>,
        %get3A_80 = vector.shape_cast %get3A_79 : vector<1x16xf32> to vector<16xf32>
        %add3A_81 = arith.addf %add3A_76, %get3A_80 : vector<16xf32>
        %neg3A_82 = arith.constant 0.000000e+00 : f32
        %neg3A_83 = vector.broadcast %neg3A_82 : f32 to vector<16xf32>
        %neg3A_84 = arith.subf %neg3A_83, %add3A_81 : vector<16xf32>
        %exp3A_85 = math.exp %neg3A_84 : vector<16xf32>
        %add3A_86 = arith.constant 1.000000e+00 : f32
        %add3A_87 = vector.broadcast %add3A_86 : f32 to vector<16xf32>
        %add3A_88 = arith.addf %add3A_87, %exp3A_85 : vector<16xf32>
        %div3A_89 = arith.divf %add3A_81, %add3A_88 : vector<16xf32>
        %swap3A_90 = arith.index_cast %scan3A_45 : i32 to index
        %swap3A_91 = arith.constant 16 : index
        %swap3A_92 = tpu.vector_load %arg14[%swap3A_90, %swap3A_91] {strides = array<i32>} : memref<80x128xf32, #tpu.memory_space<vmem>>, vector<1x16xf32>,
        %swap3A_93 = vector.shape_cast %swap3A_92 : vector<1x16xf32> to vector<16xf32>
        %swap3A_94 = vector.shape_cast %div3A_89 : vector<16xf32> to vector<1x16xf32>
        tpu.vector_store %arg14[%swap3A_90, %swap3A_91], %swap3A_94 {strides = array<i32>} : memref<80x128xf32, #tpu.memory_space<vmem>>, vector<1x16xf32>,
        %get3A_95 = arith.index_cast %scan3A_45 : i32 to index
        %get3A_96 = arith.constant 32 : index
        %get3A_97 = tpu.vector_load %arg11[%get3A_95, %get3A_96] {strides = array<i32>} : memref<80x128xf32, #tpu.memory_space<vmem>>, vector<1x16xf32>,
        %get3A_98 = vector.shape_cast %get3A_97 : vector<1x16xf32> to vector<16xf32>
        %get3A_99 = arith.index_cast %scan3A_45 : i32 to index
        %get3A_100 = arith.constant 32 : index
        %get3A_101 = tpu.vector_load %arg12[%get3A_99, %get3A_100] {strides = array<i32>} : memref<80x128xf32, #tpu.memory_space<vmem>>, vector<1x16xf32>,
        %get3A_102 = vector.shape_cast %get3A_101 : vector<1x16xf32> to vector<16xf32>
        %add3A_103 = arith.addf %get3A_98, %get3A_102 : vector<16xf32>
        %get3A_104 = arith.index_cast %scan3A_45 : i32 to index
        %get3A_105 = arith.constant 32 : index
        %get3A_106 = tpu.vector_load %arg13[%get3A_104, %get3A_105] {strides = array<i32>} : memref<80x128xf32, #tpu.memory_space<vmem>>, vector<1x16xf32>,
        %get3A_107 = vector.shape_cast %get3A_106 : vector<1x16xf32> to vector<16xf32>
        %add3A_108 = arith.addf %add3A_103, %get3A_107 : vector<16xf32>
        %neg3A_109 = arith.constant 0.000000e+00 : f32
        %neg3A_110 = vector.broadcast %neg3A_109 : f32 to vector<16xf32>
        %neg3A_111 = arith.subf %neg3A_110, %add3A_108 : vector<16xf32>
        %exp3A_112 = math.exp %neg3A_111 : vector<16xf32>
        %add3A_113 = arith.constant 1.000000e+00 : f32
        %add3A_114 = vector.broadcast %add3A_113 : f32 to vector<16xf32>
        %add3A_115 = arith.addf %add3A_114, %exp3A_112 : vector<16xf32>
        %div3A_116 = arith.divf %add3A_108, %add3A_115 : vector<16xf32>
        %swap3A_117 = arith.index_cast %scan3A_45 : i32 to index
        %swap3A_118 = arith.constant 32 : index
        %swap3A_119 = tpu.vector_load %arg14[%swap3A_117, %swap3A_118] {strides = array<i32>} : memref<80x128xf32, #tpu.memory_space<vmem>>, vector<1x16xf32>,
        %swap3A_120 = vector.shape_cast %swap3A_119 : vector<1x16xf32> to vector<16xf32>
        %swap3A_121 = vector.shape_cast %div3A_116 : vector<16xf32> to vector<1x16xf32>
        tpu.vector_store %arg14[%swap3A_117, %swap3A_118], %swap3A_121 {strides = array<i32>} : memref<80x128xf32, #tpu.memory_space<vmem>>, vector<1x16xf32>,
        %get3A_122 = arith.index_cast %scan3A_45 : i32 to index
        %get3A_123 = arith.constant 48 : index
        %get3A_124 = tpu.vector_load %arg11[%get3A_122, %get3A_123] {strides = array<i32>} : memref<80x128xf32, #tpu.memory_space<vmem>>, vector<1x16xf32>,
        %get3A_125 = vector.shape_cast %get3A_124 : vector<1x16xf32> to vector<16xf32>
        %get3A_126 = arith.index_cast %scan3A_45 : i32 to index
        %get3A_127 = arith.constant 48 : index
        %get3A_128 = tpu.vector_load %arg12[%get3A_126, %get3A_127] {strides = array<i32>} : memref<80x128xf32, #tpu.memory_space<vmem>>, vector<1x16xf32>,
        %get3A_129 = vector.shape_cast %get3A_128 : vector<1x16xf32> to vector<16xf32>
        %add3A_130 = arith.addf %get3A_125, %get3A_129 : vector<16xf32>
        %get3A_131 = arith.index_cast %scan3A_45 : i32 to index
        %get3A_132 = arith.constant 48 : index
        %get3A_133 = tpu.vector_load %arg13[%get3A_131, %get3A_132] {strides = array<i32>} : memref<80x128xf32, #tpu.memory_space<vmem>>, vector<1x16xf32>,
        %get3A_134 = vector.shape_cast %get3A_133 : vector<1x16xf32> to vector<16xf32>
        %add3A_135 = arith.addf %add3A_130, %get3A_134 : vector<16xf32>
        %neg3A_136 = arith.constant 0.000000e+00 : f32
        %neg3A_137 = vector.broadcast %neg3A_136 : f32 to vector<16xf32>
        %neg3A_138 = arith.subf %neg3A_137, %add3A_135 : vector<16xf32>
        %exp3A_139 = math.exp %neg3A_138 : vector<16xf32>
        %add3A_140 = arith.constant 1.000000e+00 : f32
        %add3A_141 = vector.broadcast %add3A_140 : f32 to vector<16xf32>
        %add3A_142 = arith.addf %add3A_141, %exp3A_139 : vector<16xf32>
        %div3A_143 = arith.divf %add3A_135, %add3A_142 : vector<16xf32>
        %swap3A_144 = arith.index_cast %scan3A_45 : i32 to index
        %swap3A_145 = arith.constant 48 : index
        %swap3A_146 = tpu.vector_load %arg14[%swap3A_144, %swap3A_145] {strides = array<i32>} : memref<80x128xf32, #tpu.memory_space<vmem>>, vector<1x16xf32>,
        %swap3A_147 = vector.shape_cast %swap3A_146 : vector<1x16xf32> to vector<16xf32>
        %swap3A_148 = vector.shape_cast %div3A_143 : vector<16xf32> to vector<1x16xf32>
        tpu.vector_store %arg14[%swap3A_144, %swap3A_145], %swap3A_148 {strides = array<i32>} : memref<80x128xf32, #tpu.memory_space<vmem>>, vector<1x16xf32>,
        %get3A_149 = arith.index_cast %scan3A_45 : i32 to index
        %get3A_150 = arith.constant 64 : index
        %get3A_151 = tpu.vector_load %arg11[%get3A_149, %get3A_150] {strides = array<i32>} : memref<80x128xf32, #tpu.memory_space<vmem>>, vector<1x16xf32>,
        %get3A_152 = vector.shape_cast %get3A_151 : vector<1x16xf32> to vector<16xf32>
        %get3A_153 = arith.index_cast %scan3A_45 : i32 to index
        %get3A_154 = arith.constant 64 : index
        %get3A_155 = tpu.vector_load %arg12[%get3A_153, %get3A_154] {strides = array<i32>} : memref<80x128xf32, #tpu.memory_space<vmem>>, vector<1x16xf32>,
        %get3A_156 = vector.shape_cast %get3A_155 : vector<1x16xf32> to vector<16xf32>
        %add3A_157 = arith.addf %get3A_152, %get3A_156 : vector<16xf32>
        %get3A_158 = arith.index_cast %scan3A_45 : i32 to index
        %get3A_159 = arith.constant 64 : index
        %get3A_160 = tpu.vector_load %arg13[%get3A_158, %get3A_159] {strides = array<i32>} : memref<80x128xf32, #tpu.memory_space<vmem>>, vector<1x16xf32>,
        %get3A_161 = vector.shape_cast %get3A_160 : vector<1x16xf32> to vector<16xf32>
        %add3A_162 = arith.addf %add3A_157, %get3A_161 : vector<16xf32>
        %neg3A_163 = arith.constant 0.000000e+00 : f32
        %neg3A_164 = vector.broadcast %neg3A_163 : f32 to vector<16xf32>
        %neg3A_165 = arith.subf %neg3A_164, %add3A_162 : vector<16xf32>
        %exp3A_166 = math.exp %neg3A_165 : vector<16xf32>
        %add3A_167 = arith.constant 1.000000e+00 : f32
        %add3A_168 = vector.broadcast %add3A_167 : f32 to vector<16xf32>
        %add3A_169 = arith.addf %add3A_168, %exp3A_166 : vector<16xf32>
        %div3A_170 = arith.divf %add3A_162, %add3A_169 : vector<16xf32>
        %swap3A_171 = arith.index_cast %scan3A_45 : i32 to index
        %swap3A_172 = arith.constant 64 : index
        %swap3A_173 = tpu.vector_load %arg14[%swap3A_171, %swap3A_172] {strides = array<i32>} : memref<80x128xf32, #tpu.memory_space<vmem>>, vector<1x16xf32>,
        %swap3A_174 = vector.shape_cast %swap3A_173 : vector<1x16xf32> to vector<16xf32>
        %swap3A_175 = vector.shape_cast %div3A_170 : vector<16xf32> to vector<1x16xf32>
        tpu.vector_store %arg14[%swap3A_171, %swap3A_172], %swap3A_175 {strides = array<i32>} : memref<80x128xf32, #tpu.memory_space<vmem>>, vector<1x16xf32>,
        %get3A_176 = arith.index_cast %scan3A_45 : i32 to index
        %get3A_177 = arith.constant 80 : index
        %get3A_178 = tpu.vector_load %arg11[%get3A_176, %get3A_177] {strides = array<i32>} : memref<80x128xf32, #tpu.memory_space<vmem>>, vector<1x16xf32>,
        %get3A_179 = vector.shape_cast %get3A_178 : vector<1x16xf32> to vector<16xf32>
        %get3A_180 = arith.index_cast %scan3A_45 : i32 to index
        %get3A_181 = arith.constant 80 : index
        %get3A_182 = tpu.vector_load %arg12[%get3A_180, %get3A_181] {strides = array<i32>} : memref<80x128xf32, #tpu.memory_space<vmem>>, vector<1x16xf32>,
        %get3A_183 = vector.shape_cast %get3A_182 : vector<1x16xf32> to vector<16xf32>
        %add3A_184 = arith.addf %get3A_179, %get3A_183 : vector<16xf32>
        %get3A_185 = arith.index_cast %scan3A_45 : i32 to index
        %get3A_186 = arith.constant 80 : index
        %get3A_187 = tpu.vector_load %arg13[%get3A_185, %get3A_186] {strides = array<i32>} : memref<80x128xf32, #tpu.memory_space<vmem>>, vector<1x16xf32>,
        %get3A_188 = vector.shape_cast %get3A_187 : vector<1x16xf32> to vector<16xf32>
        %add3A_189 = arith.addf %add3A_184, %get3A_188 : vector<16xf32>
        %neg3A_190 = arith.constant 0.000000e+00 : f32
        %neg3A_191 = vector.broadcast %neg3A_190 : f32 to vector<16xf32>
        %neg3A_192 = arith.subf %neg3A_191, %add3A_189 : vector<16xf32>
        %exp3A_193 = math.exp %neg3A_192 : vector<16xf32>
        %add3A_194 = arith.constant 1.000000e+00 : f32
        %add3A_195 = vector.broadcast %add3A_194 : f32 to vector<16xf32>
        %add3A_196 = arith.addf %add3A_195, %exp3A_193 : vector<16xf32>
        %div3A_197 = arith.divf %add3A_189, %add3A_196 : vector<16xf32>
        %swap3A_198 = arith.index_cast %scan3A_45 : i32 to index
        %swap3A_199 = arith.constant 80 : index
        %swap3A_200 = tpu.vector_load %arg14[%swap3A_198, %swap3A_199] {strides = array<i32>} : memref<80x128xf32, #tpu.memory_space<vmem>>, vector<1x16xf32>,
        %swap3A_201 = vector.shape_cast %swap3A_200 : vector<1x16xf32> to vector<16xf32>
        %swap3A_202 = vector.shape_cast %div3A_197 : vector<16xf32> to vector<1x16xf32>
        tpu.vector_store %arg14[%swap3A_198, %swap3A_199], %swap3A_202 {strides = array<i32>} : memref<80x128xf32, #tpu.memory_space<vmem>>, vector<1x16xf32>,
        %get3A_203 = arith.index_cast %scan3A_45 : i32 to index
        %get3A_204 = arith.constant 96 : index
        %get3A_205 = tpu.vector_load %arg11[%get3A_203, %get3A_204] {strides = array<i32>} : memref<80x128xf32, #tpu.memory_space<vmem>>, vector<1x16xf32>,
        %get3A_206 = vector.shape_cast %get3A_205 : vector<1x16xf32> to vector<16xf32>
        %get3A_207 = arith.index_cast %scan3A_45 : i32 to index
        %get3A_208 = arith.constant 96 : index
        %get3A_209 = tpu.vector_load %arg12[%get3A_207, %get3A_208] {strides = array<i32>} : memref<80x128xf32, #tpu.memory_space<vmem>>, vector<1x16xf32>,
        %get3A_210 = vector.shape_cast %get3A_209 : vector<1x16xf32> to vector<16xf32>
        %add3A_211 = arith.addf %get3A_206, %get3A_210 : vector<16xf32>
        %get3A_212 = arith.index_cast %scan3A_45 : i32 to index
        %get3A_213 = arith.constant 96 : index
        %get3A_214 = tpu.vector_load %arg13[%get3A_212, %get3A_213] {strides = array<i32>} : memref<80x128xf32, #tpu.memory_space<vmem>>, vector<1x16xf32>,
        %get3A_215 = vector.shape_cast %get3A_214 : vector<1x16xf32> to vector<16xf32>
        %add3A_216 = arith.addf %add3A_211, %get3A_215 : vector<16xf32>
        %neg3A_217 = arith.constant 0.000000e+00 : f32
        %neg3A_218 = vector.broadcast %neg3A_217 : f32 to vector<16xf32>
        %neg3A_219 = arith.subf %neg3A_218, %add3A_216 : vector<16xf32>
        %exp3A_220 = math.exp %neg3A_219 : vector<16xf32>
        %add3A_221 = arith.constant 1.000000e+00 : f32
        %add3A_222 = vector.broadcast %add3A_221 : f32 to vector<16xf32>
        %add3A_223 = arith.addf %add3A_222, %exp3A_220 : vector<16xf32>
        %div3A_224 = arith.divf %add3A_216, %add3A_223 : vector<16xf32>
        %swap3A_225 = arith.index_cast %scan3A_45 : i32 to index
        %swap3A_226 = arith.constant 96 : index
        %swap3A_227 = tpu.vector_load %arg14[%swap3A_225, %swap3A_226] {strides = array<i32>} : memref<80x128xf32, #tpu.memory_space<vmem>>, vector<1x16xf32>,
        %swap3A_228 = vector.shape_cast %swap3A_227 : vector<1x16xf32> to vector<16xf32>
        %swap3A_229 = vector.shape_cast %div3A_224 : vector<16xf32> to vector<1x16xf32>
        tpu.vector_store %arg14[%swap3A_225, %swap3A_226], %swap3A_229 {strides = array<i32>} : memref<80x128xf32, #tpu.memory_space<vmem>>, vector<1x16xf32>,
        %get3A_230 = arith.index_cast %scan3A_45 : i32 to index
        %get3A_231 = arith.constant 112 : index
        %get3A_232 = tpu.vector_load %arg11[%get3A_230, %get3A_231] {strides = array<i32>} : memref<80x128xf32, #tpu.memory_space<vmem>>, vector<1x16xf32>,
        %get3A_233 = vector.shape_cast %get3A_232 : vector<1x16xf32> to vector<16xf32>
        %get3A_234 = arith.index_cast %scan3A_45 : i32 to index
        %get3A_235 = arith.constant 112 : index
        %get3A_236 = tpu.vector_load %arg12[%get3A_234, %get3A_235] {strides = array<i32>} : memref<80x128xf32, #tpu.memory_space<vmem>>, vector<1x16xf32>,
        %get3A_237 = vector.shape_cast %get3A_236 : vector<1x16xf32> to vector<16xf32>
        %add3A_238 = arith.addf %get3A_233, %get3A_237 : vector<16xf32>
        %get3A_239 = arith.index_cast %scan3A_45 : i32 to index
        %get3A_240 = arith.constant 112 : index
        %get3A_241 = tpu.vector_load %arg13[%get3A_239, %get3A_240] {strides = array<i32>} : memref<80x128xf32, #tpu.memory_space<vmem>>, vector<1x16xf32>,
        %get3A_242 = vector.shape_cast %get3A_241 : vector<1x16xf32> to vector<16xf32>
        %add3A_243 = arith.addf %add3A_238, %get3A_242 : vector<16xf32>
        %neg3A_244 = arith.constant 0.000000e+00 : f32
        %neg3A_245 = vector.broadcast %neg3A_244 : f32 to vector<16xf32>
        %neg3A_246 = arith.subf %neg3A_245, %add3A_243 : vector<16xf32>
        %exp3A_247 = math.exp %neg3A_246 : vector<16xf32>
        %add3A_248 = arith.constant 1.000000e+00 : f32
        %add3A_249 = vector.broadcast %add3A_248 : f32 to vector<16xf32>
        %add3A_250 = arith.addf %add3A_249, %exp3A_247 : vector<16xf32>
        %div3A_251 = arith.divf %add3A_243, %add3A_250 : vector<16xf32>
        %swap3A_252 = arith.index_cast %scan3A_45 : i32 to index
        %swap3A_253 = arith.constant 112 : index
        %swap3A_254 = tpu.vector_load %arg14[%swap3A_252, %swap3A_253] {strides = array<i32>} : memref<80x128xf32, #tpu.memory_space<vmem>>, vector<1x16xf32>,
        %swap3A_255 = vector.shape_cast %swap3A_254 : vector<1x16xf32> to vector<16xf32>
        %swap3A_256 = vector.shape_cast %div3A_251 : vector<16xf32> to vector<1x16xf32>
        tpu.vector_store %arg14[%swap3A_252, %swap3A_253], %swap3A_256 {strides = array<i32>} : memref<80x128xf32, #tpu.memory_space<vmem>>, vector<1x16xf32>,
      }
      %scan3A_44 = arith.constant 80 : i32
      "tpu.region"() ({
        %run_scoped3A = tpu.sem_alloc : memref<!tpu.dma_semaphore, #tpu.memory_space<semaphore_mem>>
        %dma_start3A_45 = arith.constant 0 : i32
        %dma_start3A_46 = arith.constant 0 : i32
        %dma_start3A_47 = tpu.memref_slice %arg15[%dma_start3A_45, %dma_start3A_46] : memref<10000x128xf32, #tpu.memory_space<vmem_shared>> -> memref<10000x128xf32, #tpu.memory_space<vmem_shared>>
        tpu.enqueue_indirect_dma source(%arg14 : memref<80x128xf32, #tpu.memory_space<vmem>>) target(%dma_start3A_47 : memref<10000x128xf32, #tpu.memory_space<vmem_shared>>) offsets(%arg10 : memref<80xi32, #tpu.memory_space<vmem>>) semaphore(%run_scoped3A : memref<!tpu.dma_semaphore, #tpu.memory_space<semaphore_mem>>) {add = true}
        %dma_wait3A_48 = arith.constant 0 : i32
        %dma_wait3A_49 = arith.constant 0 : i32
        %dma_wait3A_50 = tpu.memref_slice %arg15[%dma_wait3A_48, %dma_wait3A_49] : memref<10000x128xf32, #tpu.memory_space<vmem_shared>> -> memref<10000x128xf32, #tpu.memory_space<vmem_shared>>
        tpu.wait_indirect_dma semaphore(%run_scoped3A : memref<!tpu.dma_semaphore, #tpu.memory_space<semaphore_mem>>) src(%arg14 : memref<80x128xf32, #tpu.memory_space<vmem>>) dst(%dma_wait3A_50 : memref<10000x128xf32, #tpu.memory_space<vmem_shared>>)
        tpu.yield
      }) : () -> ()
    }
    %scan3A_11 = arith.constant 125 : i32
    %barrier3A_12 = arith.constant 0 : index
    tpu.barrier barrier_id(%barrier3A_12)
    %mul3A_13 = arith.constant 625 : i32
    %mul3A_14 = arith.muli %arg1, %mul3A_13 : i32
    %mul3A_15 = arith.constant 625 : i32
    %mul3A_16 = arith.muli %arg1, %mul3A_15 : i32
    "tpu.region"() ({
      %run_scoped3A = tpu.sem_alloc : memref<!tpu.dma_semaphore, #tpu.memory_space<semaphore_mem>>
      %dma_start3A = arith.constant 0 : i32
      %dma_start3A_17 = tpu.memref_slice %arg8[%arg0, %mul3A_16, %dma_start3A] : memref<2x10000x128xf32, #tpu.memory_space<hbm>> -> memref<1x625x128xf32, #tpu.memory_space<hbm>>
      %dma_start3A_18 = tpu.memref_squeeze %dma_start3A_17 : memref<1x625x128xf32, #tpu.memory_space<hbm>> -> memref<625x128xf32, #tpu.memory_space<hbm>>
      %dma_start3A_19 = arith.constant 0 : i32
      %dma_start3A_20 = tpu.memref_slice %arg15[%mul3A_14, %dma_start3A_19] : memref<10000x128xf32, #tpu.memory_space<vmem_shared>> -> memref<625x128xf32, #tpu.memory_space<vmem_shared>>
      tpu.enqueue_dma source(%dma_start3A_20 : memref<625x128xf32, #tpu.memory_space<vmem_shared>>) target(%dma_start3A_18 : memref<625x128xf32, #tpu.memory_space<hbm>>) target_semaphore(%run_scoped3A : memref<!tpu.dma_semaphore, #tpu.memory_space<semaphore_mem>>)
      %dma_wait3A = arith.constant 0 : i32
      %dma_wait3A_21 = tpu.memref_slice %arg8[%arg0, %mul3A_16, %dma_wait3A] : memref<2x10000x128xf32, #tpu.memory_space<hbm>> -> memref<1x625x128xf32, #tpu.memory_space<hbm>>
      %dma_wait3A_22 = tpu.memref_squeeze %dma_wait3A_21 : memref<1x625x128xf32, #tpu.memory_space<hbm>> -> memref<625x128xf32, #tpu.memory_space<hbm>>
      %dma_wait3A_23 = arith.constant 0 : i32
      %dma_wait3A_24 = tpu.memref_slice %arg15[%mul3A_14, %dma_wait3A_23] : memref<10000x128xf32, #tpu.memory_space<vmem_shared>> -> memref<625x128xf32, #tpu.memory_space<vmem_shared>>
      tpu.wait_dma2 semaphore(%run_scoped3A : memref<!tpu.dma_semaphore, #tpu.memory_space<semaphore_mem>>) src(%dma_wait3A_24 : memref<625x128xf32, #tpu.memory_space<vmem_shared>>) dst(%dma_wait3A_22 : memref<625x128xf32, #tpu.memory_space<hbm>>)
      tpu.yield
    }) : () -> ()
    return
  }
}

#map = affine_map<(d0, d1) -> (0)>
#map1 = affine_map<(d0, d1) -> (0, 0)>
#map2 = affine_map<(d0, d1) -> (0, 0, 0)>
module attributes {stable_mosaic.version = 14 : i64} {
  func.func @_sc_deg(%arg0: i32, %arg1: i32, %arg2: memref<320000xi32, #tpu.memory_space<hbm>>, %arg3: memref<10000x16xf32, #tpu.memory_space<hbm>>, %arg4: memref<80x16xf32, #tpu.memory_space<hbm>>, %arg5: memref<2x10000x16xf32, #tpu.memory_space<hbm>>, %arg6: memref<80xi32, #tpu.memory_space<vmem>>, %arg7: memref<80x16xf32, #tpu.memory_space<vmem>>, %arg8: memref<10000x16xf32, #tpu.memory_space<vmem_shared>>) attributes {dimension_semantics = [#tpu.dimension_semantics<core_parallel>, #tpu.dimension_semantics<subcore_parallel>], iteration_bounds = array<i64: 2, 16>, scalar_prefetch = 0 : i64, scratch_operands = 3 : i64, tpu.core_type = #tpu.core_type<sc_vector_subcore>, window_params = [{transform_indices = #map}, {transform_indices = #map1}, {transform_indices = #map1}, {transform_indices = #map2}]} {
    %mul3A = arith.constant 2 : i32
    %mul3A_0 = arith.muli %arg1, %mul3A : i32
    %add3A = arith.addi %mul3A_0, %arg0 : i32
    %mul3A_1 = arith.constant 625 : i32
    %mul3A_2 = arith.muli %arg1, %mul3A_1 : i32
    %mul3A_3 = arith.constant 625 : i32
    %mul3A_4 = arith.muli %arg1, %mul3A_3 : i32
    "tpu.region"() ({
      %run_scoped3A = tpu.sem_alloc : memref<!tpu.dma_semaphore, #tpu.memory_space<semaphore_mem>>
      %dma_start3A = arith.constant 0 : i32
      %dma_start3A_17 = tpu.memref_slice %arg8[%mul3A_4, %dma_start3A] : memref<10000x16xf32, #tpu.memory_space<vmem_shared>> -> memref<625x16xf32, #tpu.memory_space<vmem_shared>>
      %dma_start3A_18 = arith.constant 0 : i32
      %dma_start3A_19 = tpu.memref_slice %arg3[%mul3A_2, %dma_start3A_18] : memref<10000x16xf32, #tpu.memory_space<hbm>> -> memref<625x16xf32, #tpu.memory_space<hbm>>
      tpu.enqueue_dma source(%dma_start3A_19 : memref<625x16xf32, #tpu.memory_space<hbm>>) target(%dma_start3A_17 : memref<625x16xf32, #tpu.memory_space<vmem_shared>>) target_semaphore(%run_scoped3A : memref<!tpu.dma_semaphore, #tpu.memory_space<semaphore_mem>>)
      %dma_wait3A = arith.constant 0 : i32
      %dma_wait3A_20 = tpu.memref_slice %arg8[%mul3A_4, %dma_wait3A] : memref<10000x16xf32, #tpu.memory_space<vmem_shared>> -> memref<625x16xf32, #tpu.memory_space<vmem_shared>>
      %dma_wait3A_21 = arith.constant 0 : i32
      %dma_wait3A_22 = tpu.memref_slice %arg3[%mul3A_2, %dma_wait3A_21] : memref<10000x16xf32, #tpu.memory_space<hbm>> -> memref<625x16xf32, #tpu.memory_space<hbm>>
      tpu.wait_dma2 semaphore(%run_scoped3A : memref<!tpu.dma_semaphore, #tpu.memory_space<semaphore_mem>>) src(%dma_wait3A_22 : memref<625x16xf32, #tpu.memory_space<hbm>>) dst(%dma_wait3A_20 : memref<625x16xf32, #tpu.memory_space<vmem_shared>>)
      tpu.yield
    }) : () -> ()
    "tpu.region"() ({
      %run_scoped3A = tpu.sem_alloc : memref<!tpu.dma_semaphore, #tpu.memory_space<semaphore_mem>>
      tpu.enqueue_dma source(%arg4 : memref<80x16xf32, #tpu.memory_space<hbm>>) target(%arg7 : memref<80x16xf32, #tpu.memory_space<vmem>>) target_semaphore(%run_scoped3A : memref<!tpu.dma_semaphore, #tpu.memory_space<semaphore_mem>>)
      tpu.wait_dma2 semaphore(%run_scoped3A : memref<!tpu.dma_semaphore, #tpu.memory_space<semaphore_mem>>) src(%arg4 : memref<80x16xf32, #tpu.memory_space<hbm>>) dst(%arg7 : memref<80x16xf32, #tpu.memory_space<vmem>>)
      tpu.yield
    }) : () -> ()
    %barrier3A = arith.constant 0 : index
    tpu.barrier barrier_id(%barrier3A)
    %mul3A_5 = arith.constant 10000 : i32
    %mul3A_6 = arith.muli %add3A, %mul3A_5 : i32
    %scan3A = arith.constant 0 : i32
    %scan3A_7 = arith.constant 0 : i32
    %scan3A_8 = arith.constant 125 : i32
    %scan3A_9 = arith.addi %scan3A_7, %scan3A_8 : i32
    %scan3A_10 = arith.constant 1 : i32
    scf.for %scan3A_17 = %scan3A_7 to %scan3A_9 step %scan3A_10  : i32 {
      %mul3A_18 = arith.constant 80 : i32
      %mul3A_19 = arith.muli %scan3A_17, %mul3A_18 : i32
      %add3A_20 = arith.addi %mul3A_6, %mul3A_19 : i32
      "tpu.region"() ({
        %run_scoped3A = tpu.sem_alloc : memref<!tpu.dma_semaphore, #tpu.memory_space<semaphore_mem>>
        %dma_start3A = tpu.memref_slice %arg2[%add3A_20] : memref<320000xi32, #tpu.memory_space<hbm>> -> memref<80xi32, #tpu.memory_space<hbm>>
        %dma_start3A_21 = tpu.memref_slice %arg2[%add3A_20] : memref<320000xi32, #tpu.memory_space<hbm>> -> memref<80xi32, #tpu.memory_space<hbm>>
        tpu.enqueue_dma source(%dma_start3A_21 : memref<80xi32, #tpu.memory_space<hbm>>) target(%arg6 : memref<80xi32, #tpu.memory_space<vmem>>) target_semaphore(%run_scoped3A : memref<!tpu.dma_semaphore, #tpu.memory_space<semaphore_mem>>)
        %dma_wait3A = tpu.memref_slice %arg2[%add3A_20] : memref<320000xi32, #tpu.memory_space<hbm>> -> memref<80xi32, #tpu.memory_space<hbm>>
        %dma_wait3A_22 = tpu.memref_slice %arg2[%add3A_20] : memref<320000xi32, #tpu.memory_space<hbm>> -> memref<80xi32, #tpu.memory_space<hbm>>
        tpu.wait_dma2 semaphore(%run_scoped3A : memref<!tpu.dma_semaphore, #tpu.memory_space<semaphore_mem>>) src(%dma_wait3A_22 : memref<80xi32, #tpu.memory_space<hbm>>) dst(%arg6 : memref<80xi32, #tpu.memory_space<vmem>>)
        tpu.yield
      }) : () -> ()
      "tpu.region"() ({
        %run_scoped3A = tpu.sem_alloc : memref<!tpu.dma_semaphore, #tpu.memory_space<semaphore_mem>>
        %dma_start3A = arith.constant 0 : i32
        %dma_start3A_21 = arith.constant 0 : i32
        %dma_start3A_22 = tpu.memref_slice %arg8[%dma_start3A, %dma_start3A_21] : memref<10000x16xf32, #tpu.memory_space<vmem_shared>> -> memref<10000x16xf32, #tpu.memory_space<vmem_shared>>
        tpu.enqueue_indirect_dma source(%arg7 : memref<80x16xf32, #tpu.memory_space<vmem>>) target(%dma_start3A_22 : memref<10000x16xf32, #tpu.memory_space<vmem_shared>>) offsets(%arg6 : memref<80xi32, #tpu.memory_space<vmem>>) semaphore(%run_scoped3A : memref<!tpu.dma_semaphore, #tpu.memory_space<semaphore_mem>>) {add = true}
        %dma_wait3A = arith.constant 0 : i32
        %dma_wait3A_23 = arith.constant 0 : i32
        %dma_wait3A_24 = tpu.memref_slice %arg8[%dma_wait3A, %dma_wait3A_23] : memref<10000x16xf32, #tpu.memory_space<vmem_shared>> -> memref<10000x16xf32, #tpu.memory_space<vmem_shared>>
        tpu.wait_indirect_dma semaphore(%run_scoped3A : memref<!tpu.dma_semaphore, #tpu.memory_space<semaphore_mem>>) src(%arg7 : memref<80x16xf32, #tpu.memory_space<vmem>>) dst(%dma_wait3A_24 : memref<10000x16xf32, #tpu.memory_space<vmem_shared>>)
        tpu.yield
      }) : () -> ()
    }
    %scan3A_11 = arith.constant 125 : i32
    %barrier3A_12 = arith.constant 0 : index
    tpu.barrier barrier_id(%barrier3A_12)
    %mul3A_13 = arith.constant 625 : i32
    %mul3A_14 = arith.muli %arg1, %mul3A_13 : i32
    %mul3A_15 = arith.constant 625 : i32
    %mul3A_16 = arith.muli %arg1, %mul3A_15 : i32
    "tpu.region"() ({
      %run_scoped3A = tpu.sem_alloc : memref<!tpu.dma_semaphore, #tpu.memory_space<semaphore_mem>>
      %dma_start3A = arith.constant 0 : i32
      %dma_start3A_17 = tpu.memref_slice %arg5[%arg0, %mul3A_16, %dma_start3A] : memref<2x10000x16xf32, #tpu.memory_space<hbm>> -> memref<1x625x16xf32, #tpu.memory_space<hbm>>
      %dma_start3A_18 = tpu.memref_squeeze %dma_start3A_17 : memref<1x625x16xf32, #tpu.memory_space<hbm>> -> memref<625x16xf32, #tpu.memory_space<hbm>>
      %dma_start3A_19 = arith.constant 0 : i32
      %dma_start3A_20 = tpu.memref_slice %arg8[%mul3A_14, %dma_start3A_19] : memref<10000x16xf32, #tpu.memory_space<vmem_shared>> -> memref<625x16xf32, #tpu.memory_space<vmem_shared>>
      tpu.enqueue_dma source(%dma_start3A_20 : memref<625x16xf32, #tpu.memory_space<vmem_shared>>) target(%dma_start3A_18 : memref<625x16xf32, #tpu.memory_space<hbm>>) target_semaphore(%run_scoped3A : memref<!tpu.dma_semaphore, #tpu.memory_space<semaphore_mem>>)
      %dma_wait3A = arith.constant 0 : i32
      %dma_wait3A_21 = tpu.memref_slice %arg5[%arg0, %mul3A_16, %dma_wait3A] : memref<2x10000x16xf32, #tpu.memory_space<hbm>> -> memref<1x625x16xf32, #tpu.memory_space<hbm>>
      %dma_wait3A_22 = tpu.memref_squeeze %dma_wait3A_21 : memref<1x625x16xf32, #tpu.memory_space<hbm>> -> memref<625x16xf32, #tpu.memory_space<hbm>>
      %dma_wait3A_23 = arith.constant 0 : i32
      %dma_wait3A_24 = tpu.memref_slice %arg8[%mul3A_14, %dma_wait3A_23] : memref<10000x16xf32, #tpu.memory_space<vmem_shared>> -> memref<625x16xf32, #tpu.memory_space<vmem_shared>>
      tpu.wait_dma2 semaphore(%run_scoped3A : memref<!tpu.dma_semaphore, #tpu.memory_space<semaphore_mem>>) src(%dma_wait3A_24 : memref<625x16xf32, #tpu.memory_space<vmem_shared>>) dst(%dma_wait3A_22 : memref<625x16xf32, #tpu.memory_space<hbm>>)
      tpu.yield
    }) : () -> ()
    return
  }
}

module attributes {stable_mosaic.version = 14 : i64} {
  func.func @_uv_body(%arg0: i32, %arg1: memref<2000x128xf32, #tpu.memory_space<vmem>>, %arg2: memref<384x128xf32, #tpu.memory_space<vmem>>, %arg3: memref<2000x128xf32, #tpu.memory_space<vmem>>, %arg4: memref<2000x128xf32, #tpu.memory_space<vmem>>) attributes {dimension_semantics = [#tpu.dimension_semantics<arbitrary>], iteration_bounds = array<i64: 5>, scalar_prefetch = 0 : i64, scratch_operands = 0 : i64, tpu.core_type = #tpu.core_type<tc>, window_params = [{transform_indices = @transform_0, window_bounds = array<i64: 2000, 128>}, {pipeline_mode = #tpu.pipeline_mode<synchronous>, transform_indices = @transform_1, window_bounds = array<i64: 384, 128>}, {transform_indices = @transform_2, window_bounds = array<i64: 2000, 128>}, {transform_indices = @transform_3, window_bounds = array<i64: 2000, 128>}]} {
    %get3A = arith.constant 0 : index
    %get3A_0 = arith.constant 0 : index
    %get3A_1 = vector.load %arg1[%get3A, %get3A_0] : memref<2000x128xf32, #tpu.memory_space<vmem>>, vector<2000x128xf32>
    %get3A_2 = arith.constant 0 : index
    %get3A_3 = arith.constant 0 : index
    %get3A_4 = vector.load %arg2[%get3A_2, %get3A_3] : memref<384x128xf32, #tpu.memory_space<vmem>>, vector<128x128xf32>
    %dot_general3A = arith.constant dense<0.000000e+00> : vector<2000x128xf32>
    %dot_general3A_5 = tpu.matmul %get3A_1, %get3A_4, %dot_general3A {dimension_numbers = #tpu.dot_dimension_numbers<[1], [0], [0], [1], [0, 0, 1, 1], [], []>, transpose_lhs_hint = false} : vector<2000x128xf32>, vector<128x128xf32>, vector<2000x128xf32> -> vector<2000x128xf32>
    %swap3A = arith.constant 0 : index
    %swap3A_6 = arith.constant 0 : index
    %swap3A_7 = vector.load %arg3[%swap3A, %swap3A_6] : memref<2000x128xf32, #tpu.memory_space<vmem>>, vector<2000x128xf32>
    tpu.vector_store %arg3[%swap3A, %swap3A_6], %dot_general3A_5 {strides = array<i32>} : memref<2000x128xf32, #tpu.memory_space<vmem>>, vector<2000x128xf32>,
    %get3A_8 = arith.constant 128 : index
    %get3A_9 = arith.constant 0 : index
    %get3A_10 = vector.load %arg2[%get3A_8, %get3A_9] : memref<384x128xf32, #tpu.memory_space<vmem>>, vector<128x128xf32>
    %dot_general3A_11 = arith.constant dense<0.000000e+00> : vector<2000x128xf32>
    %dot_general3A_12 = tpu.matmul %get3A_1, %get3A_10, %dot_general3A_11 {dimension_numbers = #tpu.dot_dimension_numbers<[1], [0], [0], [1], [0, 0, 1, 1], [], []>, transpose_lhs_hint = false} : vector<2000x128xf32>, vector<128x128xf32>, vector<2000x128xf32> -> vector<2000x128xf32>
    %swap3A_13 = arith.constant 0 : index
    %swap3A_14 = arith.constant 0 : index
    %swap3A_15 = vector.load %arg4[%swap3A_13, %swap3A_14] : memref<2000x128xf32, #tpu.memory_space<vmem>>, vector<2000x128xf32>
    tpu.vector_store %arg4[%swap3A_13, %swap3A_14], %dot_general3A_12 {strides = array<i32>} : memref<2000x128xf32, #tpu.memory_space<vmem>>, vector<2000x128xf32>,
    return
  }
  func.func @transform_0(%arg0: i32) -> (i32, i32) {
    %c0_i32 = arith.constant 0 : i32
    %c0_i32_0 = arith.constant 0 : i32
    return %arg0, %c0_i32 : i32, i32
  }
  func.func @transform_1(%arg0: i32) -> (i32, i32) {
    %c0_i32 = arith.constant 0 : i32
    %c0_i32_0 = arith.constant 0 : i32
    %c0_i32_1 = arith.constant 0 : i32
    return %c0_i32, %c0_i32_0 : i32, i32
  }
  func.func @transform_2(%arg0: i32) -> (i32, i32) {
    %c0_i32 = arith.constant 0 : i32
    %c0_i32_0 = arith.constant 0 : i32
    return %arg0, %c0_i32 : i32, i32
  }
  func.func @transform_3(%arg0: i32) -> (i32, i32) {
    %c0_i32 = arith.constant 0 : i32
    %c0_i32_0 = arith.constant 0 : i32
    return %arg0, %c0_i32 : i32, i32
  }
}

module attributes {stable_mosaic.version = 14 : i64} {
  func.func @_edge_body(%arg0: i32, %arg1: memref<4000x20xf32, #tpu.memory_space<vmem>>, %arg2: memref<20x128xf32, #tpu.memory_space<vmem>>, %arg3: memref<1x128xf32, #tpu.memory_space<vmem>>, %arg4: memref<128x128xf32, #tpu.memory_space<vmem>>, %arg5: memref<1x128xf32, #tpu.memory_space<vmem>>, %arg6: memref<384x128xf32, #tpu.memory_space<vmem>>, %arg7: memref<1x128xf32, #tpu.memory_space<vmem>>, %arg8: memref<4000x128xf32, #tpu.memory_space<vmem>>) attributes {dimension_semantics = [#tpu.dimension_semantics<arbitrary>], iteration_bounds = array<i64: 80>, scalar_prefetch = 0 : i64, scratch_operands = 0 : i64, tpu.core_type = #tpu.core_type<tc>, window_params = [{transform_indices = @transform_0, window_bounds = array<i64: 4000, 20>}, {pipeline_mode = #tpu.pipeline_mode<synchronous>, transform_indices = @transform_1, window_bounds = array<i64: 20, 128>}, {pipeline_mode = #tpu.pipeline_mode<synchronous>, transform_indices = @transform_2, window_bounds = array<i64: 1, 128>}, {pipeline_mode = #tpu.pipeline_mode<synchronous>, transform_indices = @transform_3, window_bounds = array<i64: 128, 128>}, {pipeline_mode = #tpu.pipeline_mode<synchronous>, transform_indices = @transform_4, window_bounds = array<i64: 1, 128>}, {pipeline_mode = #tpu.pipeline_mode<synchronous>, transform_indices = @transform_5, window_bounds = array<i64: 384, 128>}, {pipeline_mode = #tpu.pipeline_mode<synchronous>, transform_indices = @transform_6, window_bounds = array<i64: 1, 128>}, {transform_indices = @transform_7, window_bounds = array<i64: 4000, 128>}]} {
    %get3A = arith.constant 256 : index
    %get3A_0 = arith.constant 0 : index
    %get3A_1 = vector.load %arg6[%get3A, %get3A_0] : memref<384x128xf32, #tpu.memory_space<vmem>>, vector<128x128xf32>
    %get3A_2 = arith.constant 0 : index
    %get3A_3 = arith.constant 0 : index
    %get3A_4 = vector.load %arg4[%get3A_2, %get3A_3] : memref<128x128xf32, #tpu.memory_space<vmem>>, vector<128x128xf32>
    %dot_general3A = arith.constant dense<0.000000e+00> : vector<128x128xf32>
    %dot_general3A_5 = tpu.matmul %get3A_4, %get3A_1, %dot_general3A {dimension_numbers = #tpu.dot_dimension_numbers<[1], [0], [0], [1], [0, 0, 1, 1], [], []>, transpose_lhs_hint = false} : vector<128x128xf32>, vector<128x128xf32>, vector<128x128xf32> -> vector<128x128xf32>
    %get3A_6 = arith.constant 0 : index
    %get3A_7 = arith.constant 0 : index
    %get3A_8 = vector.load %arg5[%get3A_6, %get3A_7] : memref<1x128xf32, #tpu.memory_space<vmem>>, vector<1x128xf32>
    %dot_general3A_9 = arith.constant dense<0.000000e+00> : vector<1x128xf32>
    %dot_general3A_10 = tpu.matmul %get3A_8, %get3A_1, %dot_general3A_9 {dimension_numbers = #tpu.dot_dimension_numbers<[1], [0], [0], [1], [0, 0, 1, 1], [], []>, transpose_lhs_hint = false} : vector<1x128xf32>, vector<128x128xf32>, vector<1x128xf32> -> vector<1x128xf32>
    %get3A_11 = arith.constant 0 : index
    %get3A_12 = arith.constant 0 : index
    %get3A_13 = vector.load %arg7[%get3A_11, %get3A_12] : memref<1x128xf32, #tpu.memory_space<vmem>>, vector<1x128xf32>
    %add3A = arith.addf %dot_general3A_10, %get3A_13 : vector<1x128xf32>
    %get3A_14 = arith.constant 0 : index
    %get3A_15 = arith.constant 0 : index
    %get3A_16 = vector.load %arg1[%get3A_14, %get3A_15] : memref<4000x20xf32, #tpu.memory_space<vmem>>, vector<4000x20xf32>
    %get3A_17 = arith.constant 0 : index
    %get3A_18 = arith.constant 0 : index
    %get3A_19 = vector.load %arg2[%get3A_17, %get3A_18] : memref<20x128xf32, #tpu.memory_space<vmem>>, vector<20x128xf32>
    %dot_general3A_20 = arith.constant dense<0.000000e+00> : vector<4000x128xf32>
    %dot_general3A_21 = tpu.matmul %get3A_16, %get3A_19, %dot_general3A_20 {dimension_numbers = #tpu.dot_dimension_numbers<[1], [0], [0], [1], [0, 0, 1, 1], [], []>, transpose_lhs_hint = false} : vector<4000x20xf32>, vector<20x128xf32>, vector<4000x128xf32> -> vector<4000x128xf32>
    %get3A_22 = arith.constant 0 : index
    %get3A_23 = arith.constant 0 : index
    %get3A_24 = vector.load %arg3[%get3A_22, %get3A_23] : memref<1x128xf32, #tpu.memory_space<vmem>>, vector<1x128xf32>
    %add3A_25 = vector.broadcast %get3A_24 : vector<1x128xf32> to vector<4000x128xf32>
    %add3A_26 = arith.addf %dot_general3A_21, %add3A_25 : vector<4000x128xf32>
    %logistic3A = arith.negf %add3A_26 : vector<4000x128xf32>
    %logistic3A_27 = math.exp %logistic3A : vector<4000x128xf32>
    %logistic3A_28 = arith.constant 1.000000e+00 : f32
    %logistic3A_29 = vector.broadcast %logistic3A_28 : f32 to vector<4000x128xf32>
    %logistic3A_30 = arith.addf %logistic3A_29, %logistic3A_27 : vector<4000x128xf32>
    %logistic3A_31 = arith.divf %logistic3A_29, %logistic3A_30 : vector<4000x128xf32>
    %mul3A = arith.mulf %add3A_26, %logistic3A_31 : vector<4000x128xf32>
    %dot_general3A_32 = arith.constant dense<0.000000e+00> : vector<4000x128xf32>
    %dot_general3A_33 = tpu.matmul %mul3A, %dot_general3A_5, %dot_general3A_32 {dimension_numbers = #tpu.dot_dimension_numbers<[1], [0], [0], [1], [0, 0, 1, 1], [], []>, transpose_lhs_hint = false} : vector<4000x128xf32>, vector<128x128xf32>, vector<4000x128xf32> -> vector<4000x128xf32>
    %add3A_34 = vector.broadcast %add3A : vector<1x128xf32> to vector<4000x128xf32>
    %add3A_35 = arith.addf %dot_general3A_33, %add3A_34 : vector<4000x128xf32>
    %swap3A = arith.constant 0 : index
    %swap3A_36 = arith.constant 0 : index
    %swap3A_37 = vector.load %arg8[%swap3A, %swap3A_36] : memref<4000x128xf32, #tpu.memory_space<vmem>>, vector<4000x128xf32>
    tpu.vector_store %arg8[%swap3A, %swap3A_36], %add3A_35 {strides = array<i32>} : memref<4000x128xf32, #tpu.memory_space<vmem>>, vector<4000x128xf32>,
    return
  }
  func.func @transform_0(%arg0: i32) -> (i32, i32) {
    %c0_i32 = arith.constant 0 : i32
    %c0_i32_0 = arith.constant 0 : i32
    return %arg0, %c0_i32 : i32, i32
  }
  func.func @transform_1(%arg0: i32) -> (i32, i32) {
    %c0_i32 = arith.constant 0 : i32
    %c0_i32_0 = arith.constant 0 : i32
    %c0_i32_1 = arith.constant 0 : i32
    return %c0_i32, %c0_i32_0 : i32, i32
  }
  func.func @transform_2(%arg0: i32) -> (i32, i32) {
    %c0_i32 = arith.constant 0 : i32
    %c0_i32_0 = arith.constant 0 : i32
    %c0_i32_1 = arith.constant 0 : i32
    return %c0_i32, %c0_i32_0 : i32, i32
  }
  func.func @transform_3(%arg0: i32) -> (i32, i32) {
    %c0_i32 = arith.constant 0 : i32
    %c0_i32_0 = arith.constant 0 : i32
    %c0_i32_1 = arith.constant 0 : i32
    return %c0_i32, %c0_i32_0 : i32, i32
  }
  func.func @transform_4(%arg0: i32) -> (i32, i32) {
    %c0_i32 = arith.constant 0 : i32
    %c0_i32_0 = arith.constant 0 : i32
    %c0_i32_1 = arith.constant 0 : i32
    return %c0_i32, %c0_i32_0 : i32, i32
  }
  func.func @transform_5(%arg0: i32) -> (i32, i32) {
    %c0_i32 = arith.constant 0 : i32
    %c0_i32_0 = arith.constant 0 : i32
    %c0_i32_1 = arith.constant 0 : i32
    return %c0_i32, %c0_i32_0 : i32, i32
  }
  func.func @transform_6(%arg0: i32) -> (i32, i32) {
    %c0_i32 = arith.constant 0 : i32
    %c0_i32_0 = arith.constant 0 : i32
    %c0_i32_1 = arith.constant 0 : i32
    return %c0_i32, %c0_i32_0 : i32, i32
  }
  func.func @transform_7(%arg0: i32) -> (i32, i32) {
    %c0_i32 = arith.constant 0 : i32
    %c0_i32_0 = arith.constant 0 : i32
    return %arg0, %c0_i32 : i32, i32
  }
}

module attributes {stable_mosaic.version = 14 : i64} {
  func.func @_node_body(%arg0: i32, %arg1: memref<2x2000x128xf32, #tpu.memory_space<vmem>>, %arg2: memref<2x2000x16xf32, #tpu.memory_space<vmem>>, %arg3: memref<2000x128xf32, #tpu.memory_space<vmem>>, %arg4: memref<1x1x2000xi32, #tpu.memory_space<vmem>>, %arg5: memref<64x9xf32, #tpu.memory_space<vmem>>, %arg6: memref<128x128xf32, #tpu.memory_space<vmem>>, %arg7: memref<1x128xf32, #tpu.memory_space<vmem>>, %arg8: memref<256x128xf32, #tpu.memory_space<vmem>>, %arg9: memref<1x128xf32, #tpu.memory_space<vmem>>, %arg10: memref<128x128xf32, #tpu.memory_space<vmem>>, %arg11: memref<1x128xf32, #tpu.memory_space<vmem>>, %arg12: memref<9x128xf32, #tpu.memory_space<vmem>>, %arg13: memref<1x128xf32, #tpu.memory_space<vmem>>, %arg14: memref<128x9xf32, #tpu.memory_space<vmem>>, %arg15: memref<1x9xf32, #tpu.memory_space<vmem>>, %arg16: memref<1x128xf32, #tpu.memory_space<vmem>>, %arg17: memref<1x128xf32, #tpu.memory_space<vmem>>, %arg18: memref<1x9xf32, #tpu.memory_space<vmem>>, %arg19: memref<1x9xf32, #tpu.memory_space<vmem>>, %arg20: memref<2000x128xf32, #tpu.memory_space<vmem>>, %arg21: memref<64x256xf32, #tpu.memory_space<vmem>>, %arg22: memref<64x9xf32, #tpu.memory_space<vmem>>) attributes {dimension_semantics = [#tpu.dimension_semantics<arbitrary>], iteration_bounds = array<i64: 5>, scalar_prefetch = 0 : i64, scratch_operands = 0 : i64, tpu.core_type = #tpu.core_type<tc>, window_params = [{transform_indices = @transform_0, window_bounds = array<i64: 2, 2000, 128>}, {transform_indices = @transform_1, window_bounds = array<i64: 2, 2000, 16>}, {transform_indices = @transform_2, window_bounds = array<i64: 2000, 128>}, {transform_indices = @transform_3, window_bounds = array<i64: 1, 1, 2000>}, {pipeline_mode = #tpu.pipeline_mode<synchronous>, transform_indices = @transform_4, window_bounds = array<i64: 64, 9>}, {pipeline_mode = #tpu.pipeline_mode<synchronous>, transform_indices = @transform_5, window_bounds = array<i64: 128, 128>}, {pipeline_mode = #tpu.pipeline_mode<synchronous>, transform_indices = @transform_6, window_bounds = array<i64: 1, 128>}, {pipeline_mode = #tpu.pipeline_mode<synchronous>, transform_indices = @transform_7, window_bounds = array<i64: 256, 128>}, {pipeline_mode = #tpu.pipeline_mode<synchronous>, transform_indices = @transform_8, window_bounds = array<i64: 1, 128>}, {pipeline_mode = #tpu.pipeline_mode<synchronous>, transform_indices = @transform_9, window_bounds = array<i64: 128, 128>}, {pipeline_mode = #tpu.pipeline_mode<synchronous>, transform_indices = @transform_10, window_bounds = array<i64: 1, 128>}, {pipeline_mode = #tpu.pipeline_mode<synchronous>, transform_indices = @transform_11, window_bounds = array<i64: 9, 128>}, {pipeline_mode = #tpu.pipeline_mode<synchronous>, transform_indices = @transform_12, window_bounds = array<i64: 1, 128>}, {pipeline_mode = #tpu.pipeline_mode<synchronous>, transform_indices = @transform_13, window_bounds = array<i64: 128, 9>}, {pipeline_mode = #tpu.pipeline_mode<synchronous>, transform_indices = @transform_14, window_bounds = array<i64: 1, 9>}, {pipeline_mode = #tpu.pipeline_mode<synchronous>, transform_indices = @transform_15, window_bounds = array<i64: 1, 128>}, {pipeline_mode = #tpu.pipeline_mode<synchronous>, transform_indices = @transform_16, window_bounds = array<i64: 1, 128>}, {pipeline_mode = #tpu.pipeline_mode<synchronous>, transform_indices = @transform_17, window_bounds = array<i64: 1, 9>}, {pipeline_mode = #tpu.pipeline_mode<synchronous>, transform_indices = @transform_18, window_bounds = array<i64: 1, 9>}, {transform_indices = @transform_19, window_bounds = array<i64: 2000, 128>}, {pipeline_mode = #tpu.pipeline_mode<synchronous>, transform_indices = @transform_20, window_bounds = array<i64: 64, 256>}, {pipeline_mode = #tpu.pipeline_mode<synchronous>, transform_indices = @transform_21, window_bounds = array<i64: 64, 9>}]} {
    %get3A = arith.constant 0 : index
    %get3A_0 = arith.constant 0 : index
    %get3A_1 = arith.constant 0 : index
    %get3A_2 = vector.load %arg1[%get3A, %get3A_0, %get3A_1] : memref<2x2000x128xf32, #tpu.memory_space<vmem>>, vector<1x2000x128xf32>
    %get3A_3 = vector.shape_cast %get3A_2 : vector<1x2000x128xf32> to vector<2000x128xf32>
    %get3A_4 = arith.constant 1 : index
    %get3A_5 = arith.constant 0 : index
    %get3A_6 = arith.constant 0 : index
    %get3A_7 = vector.load %arg1[%get3A_4, %get3A_5, %get3A_6] : memref<2x2000x128xf32, #tpu.memory_space<vmem>>, vector<1x2000x128xf32>
    %get3A_8 = vector.shape_cast %get3A_7 : vector<1x2000x128xf32> to vector<2000x128xf32>
    %add3A = arith.addf %get3A_3, %get3A_8 : vector<2000x128xf32>
    %get3A_9 = arith.constant 0 : index
    %get3A_10 = arith.constant 0 : index
    %get3A_11 = arith.constant 0 : index
    %get3A_12 = vector.load %arg2[%get3A_9, %get3A_10, %get3A_11] : memref<2x2000x16xf32, #tpu.memory_space<vmem>>, vector<1x2000x1xf32>
    %get3A_13 = vector.shape_cast %get3A_12 : vector<1x2000x1xf32> to vector<2000x1xf32>
    %get3A_14 = arith.constant 1 : index
    %get3A_15 = arith.constant 0 : index
    %get3A_16 = arith.constant 0 : index
    %get3A_17 = vector.load %arg2[%get3A_14, %get3A_15, %get3A_16] : memref<2x2000x16xf32, #tpu.memory_space<vmem>>, vector<1x2000x1xf32>
    %get3A_18 = vector.shape_cast %get3A_17 : vector<1x2000x1xf32> to vector<2000x1xf32>
    %add3A_19 = arith.addf %get3A_13, %get3A_18 : vector<2000x1xf32>
    %get3A_20 = arith.constant 0 : index
    %get3A_21 = arith.constant 0 : index
    %get3A_22 = vector.load %arg6[%get3A_20, %get3A_21] : memref<128x128xf32, #tpu.memory_space<vmem>>, vector<128x128xf32>
    %dot_general3A = arith.constant dense<0.000000e+00> : vector<2000x128xf32>
    %dot_general3A_23 = tpu.matmul %add3A, %get3A_22, %dot_general3A {dimension_numbers = #tpu.dot_dimension_numbers<[1], [0], [0], [1], [0, 0, 1, 1], [], []>, transpose_lhs_hint = false} : vector<2000x128xf32>, vector<128x128xf32>, vector<2000x128xf32> -> vector<2000x128xf32>
    %get3A_24 = arith.constant 0 : index
    %get3A_25 = arith.constant 0 : index
    %get3A_26 = vector.load %arg7[%get3A_24, %get3A_25] : memref<1x128xf32, #tpu.memory_space<vmem>>, vector<1x128xf32>
    %mul3A = vector.broadcast %add3A_19 : vector<2000x1xf32> to vector<2000x128xf32>
    %mul3A_27 = vector.broadcast %get3A_26 : vector<1x128xf32> to vector<2000x128xf32>
    %mul3A_28 = arith.mulf %mul3A, %mul3A_27 : vector<2000x128xf32>
    %add3A_29 = arith.addf %dot_general3A_23, %mul3A_28 : vector<2000x128xf32>
    %get3A_30 = arith.constant 0 : index
    %get3A_31 = arith.constant 0 : index
    %get3A_32 = vector.load %arg3[%get3A_30, %get3A_31] : memref<2000x128xf32, #tpu.memory_space<vmem>>, vector<2000x128xf32>
    %get3A_33 = arith.constant 0 : index
    %get3A_34 = arith.constant 0 : index
    %get3A_35 = vector.load %arg8[%get3A_33, %get3A_34] : memref<256x128xf32, #tpu.memory_space<vmem>>, vector<128x128xf32>
    %dot_general3A_36 = arith.constant dense<0.000000e+00> : vector<2000x128xf32>
    %dot_general3A_37 = tpu.matmul %get3A_32, %get3A_35, %dot_general3A_36 {dimension_numbers = #tpu.dot_dimension_numbers<[1], [0], [0], [1], [0, 0, 1, 1], [], []>, transpose_lhs_hint = false} : vector<2000x128xf32>, vector<128x128xf32>, vector<2000x128xf32> -> vector<2000x128xf32>
    %get3A_38 = arith.constant 128 : index
    %get3A_39 = arith.constant 0 : index
    %get3A_40 = vector.load %arg8[%get3A_38, %get3A_39] : memref<256x128xf32, #tpu.memory_space<vmem>>, vector<128x128xf32>
    %dot_general3A_41 = arith.constant dense<0.000000e+00> : vector<2000x128xf32>
    %dot_general3A_42 = tpu.matmul %add3A_29, %get3A_40, %dot_general3A_41 {dimension_numbers = #tpu.dot_dimension_numbers<[1], [0], [0], [1], [0, 0, 1, 1], [], []>, transpose_lhs_hint = false} : vector<2000x128xf32>, vector<128x128xf32>, vector<2000x128xf32> -> vector<2000x128xf32>
    %add3A_43 = arith.addf %dot_general3A_37, %dot_general3A_42 : vector<2000x128xf32>
    %get3A_44 = arith.constant 0 : index
    %get3A_45 = arith.constant 0 : index
    %get3A_46 = vector.load %arg9[%get3A_44, %get3A_45] : memref<1x128xf32, #tpu.memory_space<vmem>>, vector<1x128xf32>
    %add3A_47 = vector.broadcast %get3A_46 : vector<1x128xf32> to vector<2000x128xf32>
    %add3A_48 = arith.addf %add3A_43, %add3A_47 : vector<2000x128xf32>
    %logistic3A = arith.negf %add3A_48 : vector<2000x128xf32>
    %logistic3A_49 = math.exp %logistic3A : vector<2000x128xf32>
    %logistic3A_50 = arith.constant 1.000000e+00 : f32
    %logistic3A_51 = vector.broadcast %logistic3A_50 : f32 to vector<2000x128xf32>
    %logistic3A_52 = arith.addf %logistic3A_51, %logistic3A_49 : vector<2000x128xf32>
    %logistic3A_53 = arith.divf %logistic3A_51, %logistic3A_52 : vector<2000x128xf32>
    %mul3A_54 = arith.mulf %add3A_48, %logistic3A_53 : vector<2000x128xf32>
    %get3A_55 = arith.constant 0 : index
    %get3A_56 = arith.constant 0 : index
    %get3A_57 = vector.load %arg10[%get3A_55, %get3A_56] : memref<128x128xf32, #tpu.memory_space<vmem>>, vector<128x128xf32>
    %dot_general3A_58 = arith.constant dense<0.000000e+00> : vector<2000x128xf32>
    %dot_general3A_59 = tpu.matmul %mul3A_54, %get3A_57, %dot_general3A_58 {dimension_numbers = #tpu.dot_dimension_numbers<[1], [0], [0], [1], [0, 0, 1, 1], [], []>, transpose_lhs_hint = false} : vector<2000x128xf32>, vector<128x128xf32>, vector<2000x128xf32> -> vector<2000x128xf32>
    %get3A_60 = arith.constant 0 : index
    %get3A_61 = arith.constant 0 : index
    %get3A_62 = vector.load %arg11[%get3A_60, %get3A_61] : memref<1x128xf32, #tpu.memory_space<vmem>>, vector<1x128xf32>
    %add3A_63 = vector.broadcast %get3A_62 : vector<1x128xf32> to vector<2000x128xf32>
    %add3A_64 = arith.addf %dot_general3A_59, %add3A_63 : vector<2000x128xf32>
    %get3A_65 = arith.constant 0 : index
    %get3A_66 = arith.constant 0 : index
    %get3A_67 = vector.load %arg5[%get3A_65, %get3A_66] : memref<64x9xf32, #tpu.memory_space<vmem>>, vector<64x9xf32>
    %get3A_68 = arith.constant 0 : index
    %get3A_69 = arith.constant 0 : index
    %get3A_70 = vector.load %arg12[%get3A_68, %get3A_69] : memref<9x128xf32, #tpu.memory_space<vmem>>, vector<9x128xf32>
    %dot_general3A_71 = arith.constant dense<0.000000e+00> : vector<64x128xf32>
    %dot_general3A_72 = tpu.matmul %get3A_67, %get3A_70, %dot_general3A_71 {dimension_numbers = #tpu.dot_dimension_numbers<[1], [0], [0], [1], [0, 0, 1, 1], [], []>, transpose_lhs_hint = false} : vector<64x9xf32>, vector<9x128xf32>, vector<64x128xf32> -> vector<64x128xf32>
    %get3A_73 = arith.constant 0 : index
    %get3A_74 = arith.constant 0 : index
    %get3A_75 = vector.load %arg13[%get3A_73, %get3A_74] : memref<1x128xf32, #tpu.memory_space<vmem>>, vector<1x128xf32>
    %add3A_76 = vector.broadcast %get3A_75 : vector<1x128xf32> to vector<64x128xf32>
    %add3A_77 = arith.addf %dot_general3A_72, %add3A_76 : vector<64x128xf32>
    %get3A_78 = arith.constant 0 : index
    %get3A_79 = arith.constant 0 : index
    %get3A_80 = arith.constant 0 : index
    %get3A_81 = vector.load %arg4[%get3A_78, %get3A_79, %get3A_80] : memref<1x1x2000xi32, #tpu.memory_space<vmem>>, vector<1x1x2000xi32>
    %get3A_82 = vector.shape_cast %get3A_81 : vector<1x1x2000xi32> to vector<2000xi32>
    %broadcast_in_dim3A = vector.shape_cast %get3A_82 : vector<2000xi32> to vector<2000x1xi32>
    %iota3A = tpu.iota {dimensions = array<i32: 1>} : vector<2000x64xi32>
    %eq3A = vector.broadcast %broadcast_in_dim3A : vector<2000x1xi32> to vector<2000x64xi32>
    %eq3A_83 = arith.cmpi eq, %eq3A, %iota3A : vector<2000x64xi32>
    %convert_element_type3A = arith.extui %eq3A_83 : vector<2000x64xi1> to vector<2000x64xi32>
    %convert_element_type3A_84 = arith.sitofp %convert_element_type3A : vector<2000x64xi32> to vector<2000x64xf32>
    %add3A_85 = arith.addf %get3A_32, %add3A_64 : vector<2000x128xf32>
    %dot_general3A_86 = arith.constant dense<0.000000e+00> : vector<2000x128xf32>
    %dot_general3A_87 = tpu.matmul %convert_element_type3A_84, %add3A_77, %dot_general3A_86 {dimension_numbers = #tpu.dot_dimension_numbers<[1], [0], [0], [1], [0, 0, 1, 1], [], []>, transpose_lhs_hint = false} : vector<2000x64xf32>, vector<64x128xf32>, vector<2000x128xf32> -> vector<2000x128xf32>
    %add3A_88 = arith.addf %add3A_85, %dot_general3A_87 : vector<2000x128xf32>
    %reduce_sum3A = arith.constant dense<0.000000e+00> : vector<2000xf32>
    %reduce_sum3A_89 = vector.multi_reduction <add>, %add3A_88, %reduce_sum3A [1] : vector<2000x128xf32> to vector<2000xf32>
    %broadcast_in_dim3A_90 = vector.shape_cast %reduce_sum3A_89 : vector<2000xf32> to vector<2000x1xf32>
    %div3A = arith.constant 1.280000e+02 : f32
    %div3A_91 = vector.broadcast %div3A : f32 to vector<2000x1xf32>
    %div3A_92 = arith.divf %broadcast_in_dim3A_90, %div3A_91 : vector<2000x1xf32>
    %sub3A = vector.broadcast %div3A_92 : vector<2000x1xf32> to vector<2000x128xf32>
    %sub3A_93 = arith.subf %add3A_88, %sub3A : vector<2000x128xf32>
    %sub3A_94 = vector.broadcast %div3A_92 : vector<2000x1xf32> to vector<2000x128xf32>
    %sub3A_95 = arith.subf %add3A_88, %sub3A_94 : vector<2000x128xf32>
    %mul3A_96 = arith.mulf %sub3A_93, %sub3A_95 : vector<2000x128xf32>
    %reduce_sum3A_97 = arith.constant dense<0.000000e+00> : vector<2000xf32>
    %reduce_sum3A_98 = vector.multi_reduction <add>, %mul3A_96, %reduce_sum3A_97 [1] : vector<2000x128xf32> to vector<2000xf32>
    %broadcast_in_dim3A_99 = vector.shape_cast %reduce_sum3A_98 : vector<2000xf32> to vector<2000x1xf32>
    %div3A_100 = arith.constant 1.280000e+02 : f32
    %div3A_101 = vector.broadcast %div3A_100 : f32 to vector<2000x1xf32>
    %div3A_102 = arith.divf %broadcast_in_dim3A_99, %div3A_101 : vector<2000x1xf32>
    %sub3A_103 = vector.broadcast %div3A_92 : vector<2000x1xf32> to vector<2000x128xf32>
    %sub3A_104 = arith.subf %add3A_88, %sub3A_103 : vector<2000x128xf32>
    %add3A_105 = arith.constant 9.99999974E-6 : f32
    %add3A_106 = vector.broadcast %add3A_105 : f32 to vector<2000x1xf32>
    %add3A_107 = arith.addf %div3A_102, %add3A_106 : vector<2000x1xf32>
    %sqrt3A = math.sqrt %add3A_107 : vector<2000x1xf32>
    %div3A_108 = vector.broadcast %sqrt3A : vector<2000x1xf32> to vector<2000x128xf32>
    %div3A_109 = arith.divf %sub3A_104, %div3A_108 : vector<2000x128xf32>
    %get3A_110 = arith.constant 0 : index
    %get3A_111 = arith.constant 0 : index
    %get3A_112 = vector.load %arg16[%get3A_110, %get3A_111] : memref<1x128xf32, #tpu.memory_space<vmem>>, vector<1x128xf32>
    %mul3A_113 = vector.broadcast %get3A_112 : vector<1x128xf32> to vector<2000x128xf32>
    %mul3A_114 = arith.mulf %div3A_109, %mul3A_113 : vector<2000x128xf32>
    %get3A_115 = arith.constant 0 : index
    %get3A_116 = arith.constant 0 : index
    %get3A_117 = vector.load %arg17[%get3A_115, %get3A_116] : memref<1x128xf32, #tpu.memory_space<vmem>>, vector<1x128xf32>
    %add3A_118 = vector.broadcast %get3A_117 : vector<1x128xf32> to vector<2000x128xf32>
    %add3A_119 = arith.addf %mul3A_114, %add3A_118 : vector<2000x128xf32>
    %swap3A = arith.constant 0 : index
    %swap3A_120 = arith.constant 0 : index
    %swap3A_121 = vector.load %arg20[%swap3A, %swap3A_120] : memref<2000x128xf32, #tpu.memory_space<vmem>>, vector<2000x128xf32>
    tpu.vector_store %arg20[%swap3A, %swap3A_120], %add3A_119 {strides = array<i32>} : memref<2000x128xf32, #tpu.memory_space<vmem>>, vector<2000x128xf32>,
    %broadcast_in_dim3A_122 = arith.constant 1.000000e+00 : f32
    %broadcast_in_dim3A_123 = vector.broadcast %broadcast_in_dim3A_122 : f32 to vector<2000x128xf32>
    %concatenate3A = tpu.concatenate %add3A_88, %broadcast_in_dim3A_123 in 1 : vector<2000x128xf32>, vector<2000x128xf32> -> vector<2000x256xf32>
    %dot_general3A_124 = arith.constant dense<0.000000e+00> : vector<64x256xf32>
    %dot_general3A_125 = tpu.matmul %convert_element_type3A_84, %concatenate3A, %dot_general3A_124 {dimension_numbers = #tpu.dot_dimension_numbers<[0], [0], [1], [1], [0, 1, 1, 1], [], []>, transpose_lhs_hint = false} : vector<2000x64xf32>, vector<2000x256xf32>, vector<64x256xf32> -> vector<64x256xf32>
    %eq3A_126 = arith.constant 0 : i32
    %eq3A_127 = arith.cmpi eq, %arg0, %eq3A_126 : i32
    %convert_element_type3A_128 = arith.extui %eq3A_127 : i1 to i32
    %cond3A = arith.constant 0 : i32
    %cond3A_129 = arith.cmpi ne, %convert_element_type3A_128, %cond3A : i32
    scf.if %cond3A_129 {
      %broadcast_in_dim3A_142 = arith.constant 0.000000e+00 : f32
      %broadcast_in_dim3A_143 = vector.broadcast %broadcast_in_dim3A_142 : f32 to vector<64x256xf32>
      %swap3A_144 = arith.constant 0 : index
      %swap3A_145 = arith.constant 0 : index
      %swap3A_146 = vector.load %arg21[%swap3A_144, %swap3A_145] : memref<64x256xf32, #tpu.memory_space<vmem>>, vector<64x256xf32>
      tpu.vector_store %arg21[%swap3A_144, %swap3A_145], %broadcast_in_dim3A_143 {strides = array<i32>} : memref<64x256xf32, #tpu.memory_space<vmem>>, vector<64x256xf32>,
    } else {
    }
    %get3A_130 = arith.constant 0 : index
    %get3A_131 = arith.constant 0 : index
    %get3A_132 = vector.load %arg21[%get3A_130, %get3A_131] : memref<64x256xf32, #tpu.memory_space<vmem>>, vector<64x256xf32>
    %add3A_133 = arith.addf %get3A_132, %dot_general3A_125 : vector<64x256xf32>
    %swap3A_134 = arith.constant 0 : index
    %swap3A_135 = arith.constant 0 : index
    %swap3A_136 = vector.load %arg21[%swap3A_134, %swap3A_135] : memref<64x256xf32, #tpu.memory_space<vmem>>, vector<64x256xf32>
    tpu.vector_store %arg21[%swap3A_134, %swap3A_135], %add3A_133 {strides = array<i32>} : memref<64x256xf32, #tpu.memory_space<vmem>>, vector<64x256xf32>,
    %eq3A_137 = arith.constant 4 : i32
    %eq3A_138 = arith.cmpi eq, %arg0, %eq3A_137 : i32
    %convert_element_type3A_139 = arith.extui %eq3A_138 : i1 to i32
    %cond3A_140 = arith.constant 0 : i32
    %cond3A_141 = arith.cmpi ne, %convert_element_type3A_139, %cond3A_140 : i32
    scf.if %cond3A_141 {
      %get3A_142 = arith.constant 0 : index
      %get3A_143 = arith.constant 0 : index
      %get3A_144 = vector.load %arg21[%get3A_142, %get3A_143] : memref<64x256xf32, #tpu.memory_space<vmem>>, vector<64x256xf32>
      %slice3A = vector.extract_strided_slice %get3A_144 {offsets = [0, 128], sizes = [64, 1], strides = [1, 1]} : vector<64x256xf32> to vector<64x1xf32>
      %jit3A = arith.constant 1.000000e+00 : f32
      %max3A = vector.broadcast %jit3A : f32 to vector<64x1xf32>
      %max3A_145 = arith.maximumf %max3A, %slice3A : vector<64x1xf32>
      %slice3A_146 = vector.extract_strided_slice %get3A_144 {offsets = [0, 0], sizes = [64, 128], strides = [1, 1]} : vector<64x256xf32> to vector<64x128xf32>
      %div3A_147 = vector.broadcast %max3A_145 : vector<64x1xf32> to vector<64x128xf32>
      %div3A_148 = arith.divf %slice3A_146, %div3A_147 : vector<64x128xf32>
      %get3A_149 = arith.constant 0 : index
      %get3A_150 = arith.constant 0 : index
      %get3A_151 = vector.load %arg14[%get3A_149, %get3A_150] : memref<128x9xf32, #tpu.memory_space<vmem>>, vector<128x9xf32>
      %dot_general3A_152 = arith.constant dense<0.000000e+00> : vector<64x9xf32>
      %dot_general3A_153 = tpu.matmul %div3A_148, %get3A_151, %dot_general3A_152 {dimension_numbers = #tpu.dot_dimension_numbers<[1], [0], [0], [1], [0, 0, 1, 1], [], []>, transpose_lhs_hint = false} : vector<64x128xf32>, vector<128x9xf32>, vector<64x9xf32> -> vector<64x9xf32>
      %add3A_154 = arith.addf %get3A_67, %dot_general3A_153 : vector<64x9xf32>
      %get3A_155 = arith.constant 0 : index
      %get3A_156 = arith.constant 0 : index
      %get3A_157 = vector.load %arg15[%get3A_155, %get3A_156] : memref<1x9xf32, #tpu.memory_space<vmem>>, vector<1x9xf32>
      %add3A_158 = vector.broadcast %get3A_157 : vector<1x9xf32> to vector<64x9xf32>
      %add3A_159 = arith.addf %add3A_154, %add3A_158 : vector<64x9xf32>
      %reduce_sum3A_160 = arith.constant dense<0.000000e+00> : vector<64xf32>
      %reduce_sum3A_161 = vector.multi_reduction <add>, %add3A_159, %reduce_sum3A_160 [1] : vector<64x9xf32> to vector<64xf32>
      %broadcast_in_dim3A_162 = vector.shape_cast %reduce_sum3A_161 : vector<64xf32> to vector<64x1xf32>
      %div3A_163 = arith.constant 9.000000e+00 : f32
      %div3A_164 = vector.broadcast %div3A_163 : f32 to vector<64x1xf32>
      %div3A_165 = arith.divf %broadcast_in_dim3A_162, %div3A_164 : vector<64x1xf32>
      %sub3A_166 = vector.broadcast %div3A_165 : vector<64x1xf32> to vector<64x9xf32>
      %sub3A_167 = arith.subf %add3A_159, %sub3A_166 : vector<64x9xf32>
      %sub3A_168 = vector.broadcast %div3A_165 : vector<64x1xf32> to vector<64x9xf32>
      %sub3A_169 = arith.subf %add3A_159, %sub3A_168 : vector<64x9xf32>
      %mul3A_170 = arith.mulf %sub3A_167, %sub3A_169 : vector<64x9xf32>
      %reduce_sum3A_171 = arith.constant dense<0.000000e+00> : vector<64xf32>
      %reduce_sum3A_172 = vector.multi_reduction <add>, %mul3A_170, %reduce_sum3A_171 [1] : vector<64x9xf32> to vector<64xf32>
      %broadcast_in_dim3A_173 = vector.shape_cast %reduce_sum3A_172 : vector<64xf32> to vector<64x1xf32>
      %div3A_174 = arith.constant 9.000000e+00 : f32
      %div3A_175 = vector.broadcast %div3A_174 : f32 to vector<64x1xf32>
      %div3A_176 = arith.divf %broadcast_in_dim3A_173, %div3A_175 : vector<64x1xf32>
      %sub3A_177 = vector.broadcast %div3A_165 : vector<64x1xf32> to vector<64x9xf32>
      %sub3A_178 = arith.subf %add3A_159, %sub3A_177 : vector<64x9xf32>
      %add3A_179 = arith.constant 9.99999974E-6 : f32
      %add3A_180 = vector.broadcast %add3A_179 : f32 to vector<64x1xf32>
      %add3A_181 = arith.addf %div3A_176, %add3A_180 : vector<64x1xf32>
      %sqrt3A_182 = math.sqrt %add3A_181 : vector<64x1xf32>
      %div3A_183 = vector.broadcast %sqrt3A_182 : vector<64x1xf32> to vector<64x9xf32>
      %div3A_184 = arith.divf %sub3A_178, %div3A_183 : vector<64x9xf32>
      %get3A_185 = arith.constant 0 : index
      %get3A_186 = arith.constant 0 : index
      %get3A_187 = vector.load %arg18[%get3A_185, %get3A_186] : memref<1x9xf32, #tpu.memory_space<vmem>>, vector<1x9xf32>
      %mul3A_188 = vector.broadcast %get3A_187 : vector<1x9xf32> to vector<64x9xf32>
      %mul3A_189 = arith.mulf %div3A_184, %mul3A_188 : vector<64x9xf32>
      %get3A_190 = arith.constant 0 : index
      %get3A_191 = arith.constant 0 : index
      %get3A_192 = vector.load %arg19[%get3A_190, %get3A_191] : memref<1x9xf32, #tpu.memory_space<vmem>>, vector<1x9xf32>
      %add3A_193 = vector.broadcast %get3A_192 : vector<1x9xf32> to vector<64x9xf32>
      %add3A_194 = arith.addf %mul3A_189, %add3A_193 : vector<64x9xf32>
      %swap3A_195 = arith.constant 0 : index
      %swap3A_196 = arith.constant 0 : index
      %swap3A_197 = vector.load %arg22[%swap3A_195, %swap3A_196] : memref<64x9xf32, #tpu.memory_space<vmem>>, vector<64x9xf32>
      tpu.vector_store %arg22[%swap3A_195, %swap3A_196], %add3A_194 {strides = array<i32>} : memref<64x9xf32, #tpu.memory_space<vmem>>, vector<64x9xf32>,
    } else {
    }
    return
  }
  func.func @transform_0(%arg0: i32) -> (i32, i32, i32) {
    %c0_i32 = arith.constant 0 : i32
    %c0_i32_0 = arith.constant 0 : i32
    %c0_i32_1 = arith.constant 0 : i32
    return %c0_i32, %arg0, %c0_i32_0 : i32, i32, i32
  }
  func.func @transform_1(%arg0: i32) -> (i32, i32, i32) {
    %c0_i32 = arith.constant 0 : i32
    %c0_i32_0 = arith.constant 0 : i32
    %c0_i32_1 = arith.constant 0 : i32
    return %c0_i32, %arg0, %c0_i32_0 : i32, i32, i32
  }
  func.func @transform_2(%arg0: i32) -> (i32, i32) {
    %c0_i32 = arith.constant 0 : i32
    %c0_i32_0 = arith.constant 0 : i32
    return %arg0, %c0_i32 : i32, i32
  }
  func.func @transform_3(%arg0: i32) -> (i32, i32, i32) {
    %c0_i32 = arith.constant 0 : i32
    %c0_i32_0 = arith.constant 0 : i32
    %c0_i32_1 = arith.constant 0 : i32
    return %arg0, %c0_i32, %c0_i32_0 : i32, i32, i32
  }
  func.func @transform_4(%arg0: i32) -> (i32, i32) {
    %c0_i32 = arith.constant 0 : i32
    %c0_i32_0 = arith.constant 0 : i32
    %c0_i32_1 = arith.constant 0 : i32
    return %c0_i32, %c0_i32_0 : i32, i32
  }
  func.func @transform_5(%arg0: i32) -> (i32, i32) {
    %c0_i32 = arith.constant 0 : i32
    %c0_i32_0 = arith.constant 0 : i32
    %c0_i32_1 = arith.constant 0 : i32
    return %c0_i32, %c0_i32_0 : i32, i32
  }
  func.func @transform_6(%arg0: i32) -> (i32, i32) {
    %c0_i32 = arith.constant 0 : i32
    %c0_i32_0 = arith.constant 0 : i32
    %c0_i32_1 = arith.constant 0 : i32
    return %c0_i32, %c0_i32_0 : i32, i32
  }
  func.func @transform_7(%arg0: i32) -> (i32, i32) {
    %c0_i32 = arith.constant 0 : i32
    %c0_i32_0 = arith.constant 0 : i32
    %c0_i32_1 = arith.constant 0 : i32
    return %c0_i32, %c0_i32_0 : i32, i32
  }
  func.func @transform_8(%arg0: i32) -> (i32, i32) {
    %c0_i32 = arith.constant 0 : i32
    %c0_i32_0 = arith.constant 0 : i32
    %c0_i32_1 = arith.constant 0 : i32
    return %c0_i32, %c0_i32_0 : i32, i32
  }
  func.func @transform_9(%arg0: i32) -> (i32, i32) {
    %c0_i32 = arith.constant 0 : i32
    %c0_i32_0 = arith.constant 0 : i32
    %c0_i32_1 = arith.constant 0 : i32
    return %c0_i32, %c0_i32_0 : i32, i32
  }
  func.func @transform_10(%arg0: i32) -> (i32, i32) {
    %c0_i32 = arith.constant 0 : i32
    %c0_i32_0 = arith.constant 0 : i32
    %c0_i32_1 = arith.constant 0 : i32
    return %c0_i32, %c0_i32_0 : i32, i32
  }
  func.func @transform_11(%arg0: i32) -> (i32, i32) {
    %c0_i32 = arith.constant 0 : i32
    %c0_i32_0 = arith.constant 0 : i32
    %c0_i32_1 = arith.constant 0 : i32
    return %c0_i32, %c0_i32_0 : i32, i32
  }
  func.func @transform_12(%arg0: i32) -> (i32, i32) {
    %c0_i32 = arith.constant 0 : i32
    %c0_i32_0 = arith.constant 0 : i32
    %c0_i32_1 = arith.constant 0 : i32
    return %c0_i32, %c0_i32_0 : i32, i32
  }
  func.func @transform_13(%arg0: i32) -> (i32, i32) {
    %c0_i32 = arith.constant 0 : i32
    %c0_i32_0 = arith.constant 0 : i32
    %c0_i32_1 = arith.constant 0 : i32
    return %c0_i32, %c0_i32_0 : i32, i32
  }
  func.func @transform_14(%arg0: i32) -> (i32, i32) {
    %c0_i32 = arith.constant 0 : i32
    %c0_i32_0 = arith.constant 0 : i32
    %c0_i32_1 = arith.constant 0 : i32
    return %c0_i32, %c0_i32_0 : i32, i32
  }
  func.func @transform_15(%arg0: i32) -> (i32, i32) {
    %c0_i32 = arith.constant 0 : i32
    %c0_i32_0 = arith.constant 0 : i32
    %c0_i32_1 = arith.constant 0 : i32
    return %c0_i32, %c0_i32_0 : i32, i32
  }
  func.func @transform_16(%arg0: i32) -> (i32, i32) {
    %c0_i32 = arith.constant 0 : i32
    %c0_i32_0 = arith.constant 0 : i32
    %c0_i32_1 = arith.constant 0 : i32
    return %c0_i32, %c0_i32_0 : i32, i32
  }
  func.func @transform_17(%arg0: i32) -> (i32, i32) {
    %c0_i32 = arith.constant 0 : i32
    %c0_i32_0 = arith.constant 0 : i32
    %c0_i32_1 = arith.constant 0 : i32
    return %c0_i32, %c0_i32_0 : i32, i32
  }
  func.func @transform_18(%arg0: i32) -> (i32, i32) {
    %c0_i32 = arith.constant 0 : i32
    %c0_i32_0 = arith.constant 0 : i32
    %c0_i32_1 = arith.constant 0 : i32
    return %c0_i32, %c0_i32_0 : i32, i32
  }
  func.func @transform_19(%arg0: i32) -> (i32, i32) {
    %c0_i32 = arith.constant 0 : i32
    %c0_i32_0 = arith.constant 0 : i32
    return %arg0, %c0_i32 : i32, i32
  }
  func.func @transform_20(%arg0: i32) -> (i32, i32) {
    %c0_i32 = arith.constant 0 : i32
    %c0_i32_0 = arith.constant 0 : i32
    %c0_i32_1 = arith.constant 0 : i32
    return %c0_i32, %c0_i32_0 : i32, i32
  }
  func.func @transform_21(%arg0: i32) -> (i32, i32) {
    %c0_i32 = arith.constant 0 : i32
    %c0_i32_0 = arith.constant 0 : i32
    %c0_i32_1 = arith.constant 0 : i32
    return %c0_i32, %c0_i32_0 : i32, i32
  }
}

</mosaic_0001>

<sc_bundles>
// kernel: kernel.10.cloned.1.call-start
scs
__scs_entry_jumppad:
0x0: {  	(pc) =	sbr.rel $0x88, $3  }
0x1: {  	(tag) =	ssettag $0x0;
	lr =	simm.s32 $0x1  }
0x2: {  	[smem:$0x3F88] =	sst lr;
	_ =	strace $0xD0000000  }
0x3: {  	_ = 	snop  }
0x4: {  	_ = 	snop  }
0x5: {  	_ = 	snop  }
0x6: {  	_ = 	snop  }
0x7: {  	_ = 	snop  }
__scs_overlays_trampoline_lowered:
0x8: {  	[smem:$0x3F97] =	sst s0  }
0x9: {  	[smem:$0x3F98] =	sst s1  }
0xa: {  	[smem:$0x3F99] =	sst s2  }
0xb: {  	[smem:$0x3F9A] =	sst s3  }
0xc: {  	[smem:$0x3F9B] =	sst s4  }
0xd: {  	[smem:$0x3F9C] =	sst s5  }
0xe: {  	[smem:$0x3F9D] =	sst s6  }
0xf: {  	[smem:$0x3F9E] =	sst s7  }
0x10: {  	[smem:$0x3F9F] =	sst s8  }
0x11: {  	[smem:$0x3FA0] =	sst s9;
	s0 =	simm.s32 @!p0 $0x0  }
0x12: {  	s1 =	sld [smem:$0x3F86];
	s0 =	simm.s32 @p0 $0x1  }
0x13: {  	[smem:$0x3FA1] =	sst s0;
	s0 =	simm.s32 @!p1 $0x0  }
0x14: {  	s2 =	sld [smem:$0x3F85];
	s0 =	simm.s32 @p1 $0x1  }
0x15: {  	[smem:$0x3FA2] =	sst s0;
	s0 =	simm.s32 @!p2 $0x0  }
0x16: {  	s3 =	sld [smem:$0x3FDB];
	s0 =	simm.s32 @p2 $0x1  }
0x17: {  	s4 =	simm.s32 $0x1BF5;
	[smem:$0x3FA4] =	sst s0  }
0x18: {  	s0 =	sld [smem:$0x3F87];
	_ =	swait.ge [sflag:s4], $0x0  }
0x19: {  	s7 =	sld [smem:$0x3F88]  }
0x1a: {  	s8 =	sadd.s32 $0xFFFFE003, lr  }
0x1b: {  	s9 =	sadd.s32 $0xFFFFFEF7, lr;
	s5 =	simm.s32 $0xFFFFFFFF;
	p2 =	slt.u32 s8, $0xFFFFF086  }
0x1c: {  	p1 =	slt.u32 s9, $0xF7A;
	s5 =	simm.s32 @!p2 $0x0  }
0x1d: {  	s5 =	simm.s32 @p1 $0x1;
	p0 =	seq.s32 s7, s2  }
0x1e: {  	s7 =	smul.u32 @!p0 $0xF7A, s2;
	p2 =	seq.s32 @!p0 s5, $0x0  }
0x1f: {  	s9 =	smul.u32 $0xF7A, s1;
	s8 =	simm.s32 @!p0 $0x1BF5;
	p2 =	por !p2, p0  }
0x20: {  	[sflag:s8] =	ssyncset.s32 @!p0 $0xFFFFF086;
	s6 =	sadd.s32 @!p0 s3, s7;
	s7 =	simm.s32 @!p0 $0x108  }
0x21: {  	s3 =	sadd.s32 s3, s9;
	s6 =	sadd.s32 @!p0 $0x88, s6;
	s7 =	simm.s32 @p2 $0x1082  }
0x22: {  	[simem:s7], [sflag:s8] =	dma.local @!p0 [hbm:s6], $0xF7A  }
0x23: {  	s9 =	sor.u32 $0xD0000000, s2;
	s6 =	simm.s32 $0x108;
	_ =	swait.ge @!p0 [sflag:s8], $0x0  }
0x24: {  	s3 =	sadd.s32 $0x88, s3;
	s6 =	simm.s32 @!p1 $0x1082;
	[sflag:s4] =	ssyncset.s32 $0xFFFFF086  }
0x25: {  	[simem:s6], [sflag:s4] =	dma.local [hbm:s3], $0xF7A  }
0x26: {  	[smem:$0x3F88] =	sst s1;
	(tag) =	ssettag s2;
	_ =	strace s9  }
0x27: {  	s1 =	sld [smem:$0x3F98]  }
0x28: {  	s2 =	sld [smem:$0x3F99]  }
0x29: {  	s4 =	sld [smem:$0x3F9B]  }
0x2a: {  	p0 =	seq.s32 s5, $0x0;
	s5 =	sld [smem:$0x3F9C]  }
0x2b: {  	s6 =	sld [smem:$0x3F9D]  }
0x2c: {  	s7 =	sld [smem:$0x3F9E]  }
0x2d: {  	s3 =	simm.s32 $0x108;
	s8 =	sld [smem:$0x3F9F]  }
0x2e: {  	s3 =	simm.s32 @!p0 $0x1082;
	s9 =	sld [smem:$0x3FA0]  }
0x2f: {  	lr =	sadd.s32 s0, s3;
	s0 =	sld [smem:$0x3F97]  }
0x30: {  	s3 =	sld [smem:$0x3F9A]  }
0x31: {  	[smem:$0x3FA3] =	sst s10  }
0x32: {  	s10 =	sld [smem:$0x3FA1];
	_ =	sdelay $0x3  }
0x33: {  	p0 =	seq.s32 s10, $0x1;
	s10 =	sld [smem:$0x3FA3];
	_ =	sdelay $0x3  }
0x34: {  	[smem:$0x3FA3] =	sst s10  }
0x35: {  	s10 =	sld [smem:$0x3FA2];
	_ =	sdelay $0x3  }
0x36: {  	p1 =	seq.s32 s10, $0x1;
	s10 =	sld [smem:$0x3FA3];
	_ =	sdelay $0x3  }
0x37: {  	[smem:$0x3FA3] =	sst s10  }
0x38: {  	s10 =	sld [smem:$0x3FA4]  }
0x39: {  	_ = 	snop;
	(pc) =	sbr.ind lr, $3  }
0x3a: {  	_ = 	snop  }
0x3b: {  	_ = 	snop  }
0x3c: {  	p2 =	seq.s32 s10, $0x1;
	s10 =	sld [smem:$0x3FA3]  }
0x3d: {  	_ =	shalt  }
0x3e: {  	_ =	shalt  }
0x3f: {  	_ =	shalt  }
0x40: {  	_ =	shalt  }
0x41: {  	_ =	shalt  }
0x42: {  	_ =	shalt  }
0x43: {  	_ =	shalt  }
0x44: {  	_ =	shalt  }
0x45: {  	_ =	shalt  }
0x46: {  	_ =	shalt  }
0x47: {  	_ =	shalt  }
0x48: {  	_ =	shalt  }
0x49: {  	_ =	shalt  }
0x4a: {  	_ =	shalt  }
0x4b: {  	_ =	shalt  }
0x4c: {  	_ =	shalt  }
0x4d: {  	_ =	shalt  }
0x4e: {  	_ =	shalt  }
0x4f: {  	_ =	shalt  }
0x50: {  	_ =	shalt  }
0x51: {  	_ =	shalt  }
0x52: {  	_ =	shalt  }
0x53: {  	_ =	shalt  }
0x54: {  	_ =	shalt  }
0x55: {  	_ =	shalt  }
0x56: {  	_ =	shalt  }
0x57: {  	_ =	shalt  }
0x58: {  	_ =	shalt  }
0x59: {  	_ =	shalt  }
0x5a: {  	_ =	shalt  }
0x5b: {  	_ =	shalt  }
0x5c: {  	_ =	shalt  }
0x5d: {  	_ =	shalt  }
0x5e: {  	_ =	shalt  }
0x5f: {  	_ =	shalt  }
0x60: {  	_ =	shalt  }
0x61: {  	_ =	shalt  }
0x62: {  	_ =	shalt  }
0x63: {  	_ =	shalt  }
0x64: {  	_ =	shalt  }
0x65: {  	_ =	shalt  }
0x66: {  	_ =	shalt  }
0x67: {  	_ =	shalt  }
0x68: {  	_ =	shalt  }
0x69: {  	_ =	shalt  }
0x6a: {  	_ =	shalt  }
0x6b: {  	_ =	shalt  }
0x6c: {  	_ =	shalt  }
0x6d: {  	_ =	shalt  }
0x6e: {  	_ =	shalt  }
0x6f: {  	_ =	shalt  }
0x70: {  	_ =	shalt  }
0x71: {  	_ =	shalt  }
0x72: {  	_ =	shalt  }
0x73: {  	_ =	shalt  }
0x74: {  	_ =	shalt  }
0x75: {  	_ =	shalt  }
0x76: {  	_ =	shalt  }
0x77: {  	_ =	shalt  }
0x78: {  	_ =	shalt  }
0x79: {  	_ =	shalt  }
0x7a: {  	_ =	shalt  }
0x7b: {  	_ =	shalt  }
0x7c: {  	_ =	shalt  }
0x7d: {  	_ =	shalt  }
0x7e: {  	_ =	shalt  }
0x7f: {  	_ =	shalt  }
0x80: {  	_ =	shalt  }
0x81: {  	_ =	shalt  }
0x82: {  	_ =	shalt  }
0x83: {  	_ =	shalt  }
0x84: {  	_ =	shalt  }
0x85: {  	_ =	shalt  }
0x86: {  	_ =	shalt  }
0x87: {  	_ =	shalt  }
.Lfunc_end0:
.L_simem_size_0:
called_computation.1_lowered:
.L_overlay_start_0:
0x88: {  	s2 =	sld [smem:$0x3FD9]  }
0x89: {  	s3 =	sld [smem:$0x3FFE];
	_ =	sdelay $0x1  }
0x8a: {  	s1 =	srdreg.scid  }
0x8b: {  	s0 =	sand.u32 $0x1, s1  }
0x8c: {  	s16 =	sshll.u32 s0, $0xA;
	s2 =	sadd.s32 s3, s2  }
0x8d: {  	s2 =	sadd.s32 s2, s16  }
0x8e: {  	[smem:$0x3FAF] =	sst s2  }
0x8f: {  	_ = 	snop  }
0x90: {  	(tm) =	ssettm $0x1  }
0x91: {  	s17 =	sld [smem:$0x3FFB];
	_ =	sdelay $0x3  }
0x92: {  	_ =	strace s17  }
0x93: {  	s2 =	sld [smem:$0x3FFC];
	_ =	sdelay $0x3  }
0x94: {  	_ =	strace s2  }
0x95: {  	s2 =	sld [smem:$0x3FFD];
	_ =	sdelay $0x3  }
0x96: {  	_ =	strace s2  }
0x97: {  	_ =	strace $0x8FFFFFFF  }
0x98: {  	s18 =	sld [smem:$0x3FDB];
	_ =	sdelay $0x1  }
0x99: {  	s19 =	simm.s32 $_scs_section_size  }
0x9a: {  	s4 =	simm.s32 $_size__tile_overlayer_lowered;
	s5 =	simm.s32 $_tile_overlayer_lowered  }
0x9b: {  	s22 =	simm.s32 $0x1BFF;
	s21 =	sshll.u32 s5, $0x1;
	s2 =	sadd.s32 s19, s18  }
0x9c: {  	s6 =	simm.s32 $0x0;
	s20 =	sshll.u32 s4, $0x1;
	s4 =	sadd.s32 s21, s2  }
0x9d: {  	[timem:s6], [sflag:s22] =	dma.local [hbm:s4], s20  }
0x9e: {  	_ =	swait.ge [sflag:s22], s20  }
0x9f: {  	s3 =	ssub.s32 $0x0, s20;
	[sflag:s22] =	ssyncset.done $0x0  }
0xa0: {  	[sflag:s22] =	ssyncadd.s32 s3;
	_ =	sdelay $0x1  }
0xa1: {  	s23 =	simm.s32 $0x1B8B  }
0xa2: {  	_ =	swait.ge [sflag:s23], $0x1  }
0xa3: {  	[sflag:s23] =	ssyncset.done $0x0  }
0xa4: {  	s25 =	simm.s32 $0x1B8E;
	s24 =	sld [smem:$0x3FFE];
	[sflag:s23] =	ssyncadd.s32 $0xFFFFFFFF  }
0xa5: {  	s26 =	simm.s32 $execute0_lowered;
	[smem:$0x3FD2] =	sst s25  }
0xa6: {  	s4 =	sshll.u32 s26, $0x1;
	_ =	strace $0x80000046;
	[dreg:$0x1] =	wrdreg $0xFFFFFFFF  }
0xa7: {  	s28 =	simm.s32 $_size_execute0_lowered;
	s2 =	sadd.s32 s2, s4;
	[dreg:$0x0] =	wrdreg $0x0  }
0xa8: {  	s4 =	sshll.u32 s28, $0x1;
	[dreg:$0x2] =	wrdreg s2  }
0xa9: {  	[dreg:$0x3] =	wrdreg s4  }
0xaa: {  	[dreg:$0x4] =	wrdreg $0xC0  }
0xab: {  	_ =	task [dreg:s6], $0x5FFFF  }
0xac: {  	[dreg:$0x1] =	wrdreg $0xFFFFFFFF  }
0xad: {  	[dreg:$0x0] =	wrdreg $0x60  }
0xae: {  	[dreg:$0x2] =	wrdreg s24  }
0xaf: {  	[dreg:$0x3] =	wrdreg $0x5500  }
0xb0: {  	[dreg:$0x4] =	wrdreg $0xA  }
0xb1: {  	_ =	task.clear_ibuf [dreg:s6], $0x5FFFF;
	_ =	strace $0x90000046  }
0xb2: {  	s29 =	simm.s32 $0xA;
	_ =	strace $0x80000048  }
0xb3: {  	_ =	swait.ge [sflag:s29], $0x1  }
0xb4: {  	[sflag:s29] =	ssyncadd.s32 $0xFFFFFFFF  }
0xb5: {  	_ =	strace $0x90000048  }
0xb6: {  	_ =	sfence  }
0xb7: {  	s30 =	sld [smem:$0x0];
	_ =	sdelay $0x2  }
0xb8: {  	s31 =	sshll.u32 s1, $0xD;
	s1 =	sshrl.u32 s1, $0x2  }
0xb9: {  	s3 =	sand.u32 $0x4000, s31;
	s1 =	sadd.s32 s1, s30  }
0xba: {  	s0 =	sor.u32 s3, s0;
	s1 =	sshll.u32 s1, $0x11  }
0xbb: {  	s0 =	sor.u32 s1, s0  }
0xbc: {  	s0 =	sadd.s32 $0x8F2B, s0  }
0xbd: {  	[sflag:s0] =	ssyncadd.remote.s32 $0x1  }
0xbe: {  	_ =	sfence.sel $0xFFFF  }
0xbf: {  	[dreg:$0x0] =	wrdreg $0xFFFFFFFF;
	(pc) =	sbr.abs _section_cstart, $3  }
0xc0: {  	[dreg:$0x1] =	wrdreg $0xFFFFFFFF  }
0xc1: {  	_ =	task.clear_ibuf [dreg:s6], $0x2FFFF;
	_ =	strace $0x9FFFFFFF  }
0xc2: {  	(tm) =	ssettm $0x7FFFFFFF  }
0xc3: {  	_ =	shalt  }
tec
execute0_lowered:
.L_overlay_start_1:
0x0: {  	(tag) =	ssettag $0x1  }
0x1: {  	s1 =	srdreg.scid  }
0x2: {  	s0 =	stileid.u32;
	s5 =	rddreg [dreg:$0x0]  }
0x3: {  	s2 =	rddreg [dreg:$0x1];
	s3 =	simm.s32 $0x0;
	s6 =	smul.u32 $0x4E20, s0  }
0x4: {  	s12 =	simm.s32 $0x50;
	s4 =	sand.u32 $0x1, s1;
	s8 =	smul.u32 $0x2710, s0  }
0x5: {  	s13 =	simm.s32 $0x0;
	s1 =	rddreg [dreg:$0x2];
	s7 =	smul.u32 $0x2710, s4  }
0x6: {  	[smem:$0x7FF] =	sst s3;
	s31 =	sshll.u32 s0, $0x6;
	s28 =	smul.u32 $0x27100, s4  }
0x7: {  	_ =	strace $0x80000047;
	s10 =	ssub.s32 $0x2, s4;
	s4 =	sadd.s32 $0x1D200, s5  }
0x8: {  	s29 =	sshrl.u32 s8, $0x3;
	s30 =	sshrl.u32 s10, $0x1;
	s11 =	sadd.s32 s8, s2  }
0x9: {  	s6 =	sadd.s32 s7, s6;
	s7 =	sadd.s32 s8, s28;
	s10 =	ssub.s32 s10, s30  }
0xa: {  	s6 =	sshrl.u32 s6, $0x3;
	s7 =	sshrl.u32 s7, $0x3;
	s8 =	smax.u32 s10, $0x1  }
0xb: {  	s10 =	sshrl.u32 s11, $0x3;
	s9 =	sadd.s32 s6, s5;
	s6 =	sadd.s32 s29, s5  }
0xc: {  	s11 =	simm.s32 $0x1;
	s7 =	sadd.s32 s7, s5;
	s5 =	sadd.s32 $0x18200, s6  }
0xd: {  	s6 =	sor.u32 $0x1C01, s31;
	s7 =	sadd.s32 $0x1D400, s7;
	s9 =	sadd.s32 $0x4600, s9  }
.LBB2_1:
0xe: {  	[spmem:s10], [sflag:s6] =	dma.local [hbm:s5], $0x4E2  }
0xf: {  	_ =	swait.ge [sflag:s11], $0x4E2  }
0x10: {  	[sflag:s11] =	ssyncset.done $0x0  }
0x11: {  	[sflag:s11] =	ssyncadd.s32 $0xFFFFFB1E  }
0x12: {  	[tilespmem:s12], [sflag:$0x1] =	stream.linear.gather [hbm4b:s4+s3], $0x500, $0x38;
	[tilespmem:$0x2C60] =	vst v63  }
0x13: {  	_ =	swait.ge [sflag:s11], $0x500  }
0x14: {  	[sflag:s11] =	ssyncset.done $0x0  }
0x15: {  	[sflag:s11] =	ssyncadd.s32 $0xFFFFFB00  }
0x16: {  	s14 =	sadd.s32 $0x0, s9;
	[bflag:$0x0] =	sbarrier.arrive $0xFFFF  }
0x17: {  	[tilespmem:s3], [sflag:$0x1] =	stream.linear.gather [hbm4b:s14+s3], $0x50, $0x38;
	[tilespmem:$0x2C60] =	vst v63  }
0x18: {  	_ =	swait.ge [sflag:s11], $0x50  }
0x19: {  	[sflag:s11] =	ssyncset.done $0x0  }
0x1a: {  	[sflag:s11] =	ssyncadd.s32 $0xFFFFFFB0  }
0x1b: {  	[spmem:s2] =	stream.indirect.scatter.add.f32 [tilespmem:s12], [sflag:$0x1], $0x10, s3, s12, $0xb8;
	[tilespmem:$0x2C60] =	vst v63  }
0x1c: {  	_ =	swait.ge [sflag:s11], $0x500  }
0x1d: {  	s15 =	simm.s32 $0x14;
	s14 =	simm.s32 $0xA;
	[sflag:s11] =	ssyncset.done $0x0  }
.LBB2_2:
0x1e: {  	s16 =	sadd.s32 s14, s9  }
0x1f: {  	[sflag:s11] =	ssyncadd.s32 $0xFFFFFB00;
	s14 =	smov.u32 s15;
	s17 =	sadd.s32 $0xA, s15  }
0x20: {  	[tilespmem:s3], [sflag:$0x1] =	stream.linear.gather [hbm4b:s16+s3], $0x50, $0x38;
	[tilespmem:$0x2C60] =	vst v63  }
0x21: {  	p0 =	sne.s32 s15, $0x4D8;
	_ =	swait.ge [sflag:s11], $0x50  }
.Ltmp0:
0x22: {  	[sflag:s11] =	ssyncset.done $0x0;
	(pc) =	sbr.rel @p0 .LBB2_2-.Ltmp0, $4  }
0x23: {  	[sflag:s11] =	ssyncadd.s32 $0xFFFFFFB0  }
0x24: {  	[spmem:s2] =	stream.indirect.scatter.add.f32 [tilespmem:s12], [sflag:$0x1], $0x10, s3, s12, $0xb8;
	[tilespmem:$0x2C60] =	vst v63  }
0x25: {  	_ =	swait.ge [sflag:s11], $0x500  }
0x26: {  	s15 =	smov.u32 s17;
	[sflag:s11] =	ssyncset.done $0x0  }
0x27: {  	s14 =	sadd.s32 s14, s9;
	[sflag:s11] =	ssyncadd.s32 $0xFFFFFB00  }
0x28: {  	[tilespmem:s3], [sflag:$0x1] =	stream.linear.gather [hbm4b:s14+s3], $0x50, $0x38;
	[tilespmem:$0x2C60] =	vst v63  }
0x29: {  	_ =	swait.ge [sflag:s11], $0x50  }
0x2a: {  	[sflag:s11] =	ssyncset.done $0x0  }
0x2b: {  	[sflag:s11] =	ssyncadd.s32 $0xFFFFFFB0  }
0x2c: {  	[spmem:s2] =	stream.indirect.scatter.add.f32 [tilespmem:s12], [sflag:$0x1], $0x10, s3, s12, $0xb8;
	[tilespmem:$0x2C60] =	vst v63  }
0x2d: {  	_ =	swait.ge [sflag:s11], $0x500  }
0x2e: {  	s13 =	sadd.s32 $0x1, s13;
	[sflag:s11] =	ssyncset.done $0x0  }
0x2f: {  	p0 =	sne.s32 s13, s8;
	[sflag:s11] =	ssyncadd.s32 $0xFFFFFB00  }
.Ltmp1:
0x30: {  	[bflag:$0x0] =	sbarrier.arrive $0xFFFF;
	(pc) =	sbr.rel @p0 .LBB2_1-.Ltmp1, $4  }
0x31: {  	[hbm:s7], [sflag:s6] =	dma.local [spmem:s10], $0x4E2  }
0x32: {  	_ =	swait.ge [sflag:s11], $0x4E2  }
0x33: {  	[sflag:s11] =	ssyncset.done $0x0  }
0x34: {  	[sflag:s11] =	ssyncadd.s32 $0xFFFFFB1E  }
0x35: {  	_ =	sfence.sel $0x180000  }
0x36: {  	[bflag:$0x0] =	sbarrier.arrive $0xFFFF  }
0x37: {  	p0 =	sne.s32 s0, $0x0;
	_ =	strace $0x90000047  }
0x38: {  	s0 =	sadd.s32 @!p0 $0x100000, s1;
	[bflag:$0x2] =	sbarrier.arrive $0xFFFF  }
0x39: {  	[sflag:s0] =	ssyncadd.tile.s32 @!p0 $0x1;
	_ =	shalt  }
.Lfunc_end2:
_tile_overlayer_lowered:
.L_overlay_start_2:
0x3a: {  	(tag) =	ssettag $0x2  }
0x3b: {  	s0 =	rddreg [dreg:$0x0];
	s2 =	stileid.u32  }
0x3c: {  	s1 =	rddreg [dreg:$0x1];
	p0 =	sne.s32 s2, $0x0  }
0x3d: {  	s3 =	rddreg [dreg:$0x2];
	[bflag:$0x3] =	sbarrier.arrive $0xFFFF;
	s2 =	simm.s32 @!p0 $0x1C01  }
0x3e: {  	[timem:s3], [sflag:s2] =	dma.local @!p0 [hbm:s0], s1  }
0x3f: {  	s0 =	simm.s32 @!p0 $0x1  }
0x40: {  	_ =	swait.ge @!p0 [sflag:s0], s1  }
0x41: {  	s1 =	ssub.s32 @!p0 $0x0, s1;
	[sflag:s0] =	ssyncset.done @!p0 $0x0  }
0x42: {  	[sflag:s0] =	ssyncadd.s32 @!p0 s1  }
0x43: {  	[bflag:$0x3] =	sbarrier.arrive $0xFFFF  }
0x44: {  	_ =	shalt  }

// kernel: kernel.7.cloned.1.call-start
scs
__scs_entry_jumppad:
0x0: {  	(pc) =	sbr.rel $0x88, $3  }
0x1: {  	(tag) =	ssettag $0x0;
	lr =	simm.s32 $0x1  }
0x2: {  	[smem:$0x3F88] =	sst lr;
	_ =	strace $0xD0000000  }
0x3: {  	_ = 	snop  }
0x4: {  	_ = 	snop  }
0x5: {  	_ = 	snop  }
0x6: {  	_ = 	snop  }
0x7: {  	_ = 	snop  }
__scs_overlays_trampoline_lowered:
0x8: {  	[smem:$0x3F97] =	sst s0  }
0x9: {  	[smem:$0x3F98] =	sst s1  }
0xa: {  	[smem:$0x3F99] =	sst s2  }
0xb: {  	[smem:$0x3F9A] =	sst s3  }
0xc: {  	[smem:$0x3F9B] =	sst s4  }
0xd: {  	[smem:$0x3F9C] =	sst s5  }
0xe: {  	[smem:$0x3F9D] =	sst s6  }
0xf: {  	[smem:$0x3F9E] =	sst s7  }
0x10: {  	[smem:$0x3F9F] =	sst s8  }
0x11: {  	[smem:$0x3FA0] =	sst s9;
	s0 =	simm.s32 @!p0 $0x0  }
0x12: {  	s1 =	sld [smem:$0x3F86];
	s0 =	simm.s32 @p0 $0x1  }
0x13: {  	[smem:$0x3FA1] =	sst s0;
	s0 =	simm.s32 @!p1 $0x0  }
0x14: {  	s2 =	sld [smem:$0x3F85];
	s0 =	simm.s32 @p1 $0x1  }
0x15: {  	[smem:$0x3FA2] =	sst s0;
	s0 =	simm.s32 @!p2 $0x0  }
0x16: {  	s3 =	sld [smem:$0x3FDB];
	s0 =	simm.s32 @p2 $0x1  }
0x17: {  	s4 =	simm.s32 $0x1BF5;
	[smem:$0x3FA4] =	sst s0  }
0x18: {  	s0 =	sld [smem:$0x3F87];
	_ =	swait.ge [sflag:s4], $0x0  }
0x19: {  	s7 =	sld [smem:$0x3F88]  }
0x1a: {  	s8 =	sadd.s32 $0xFFFFE003, lr  }
0x1b: {  	s9 =	sadd.s32 $0xFFFFFEF7, lr;
	s5 =	simm.s32 $0xFFFFFFFF;
	p2 =	slt.u32 s8, $0xFFFFF086  }
0x1c: {  	p1 =	slt.u32 s9, $0xF7A;
	s5 =	simm.s32 @!p2 $0x0  }
0x1d: {  	s5 =	simm.s32 @p1 $0x1;
	p0 =	seq.s32 s7, s2  }
0x1e: {  	s7 =	smul.u32 @!p0 $0xF7A, s2;
	p2 =	seq.s32 @!p0 s5, $0x0  }
0x1f: {  	s9 =	smul.u32 $0xF7A, s1;
	s8 =	simm.s32 @!p0 $0x1BF5;
	p2 =	por !p2, p0  }
0x20: {  	[sflag:s8] =	ssyncset.s32 @!p0 $0xFFFFF086;
	s6 =	sadd.s32 @!p0 s3, s7;
	s7 =	simm.s32 @!p0 $0x108  }
0x21: {  	s3 =	sadd.s32 s3, s9;
	s6 =	sadd.s32 @!p0 $0x88, s6;
	s7 =	simm.s32 @p2 $0x1082  }
0x22: {  	[simem:s7], [sflag:s8] =	dma.local @!p0 [hbm:s6], $0xF7A  }
0x23: {  	s9 =	sor.u32 $0xD0000000, s2;
	s6 =	simm.s32 $0x108;
	_ =	swait.ge @!p0 [sflag:s8], $0x0  }
0x24: {  	s3 =	sadd.s32 $0x88, s3;
	s6 =	simm.s32 @!p1 $0x1082;
	[sflag:s4] =	ssyncset.s32 $0xFFFFF086  }
0x25: {  	[simem:s6], [sflag:s4] =	dma.local [hbm:s3], $0xF7A  }
0x26: {  	[smem:$0x3F88] =	sst s1;
	(tag) =	ssettag s2;
	_ =	strace s9  }
0x27: {  	s1 =	sld [smem:$0x3F98]  }
0x28: {  	s2 =	sld [smem:$0x3F99]  }
0x29: {  	s4 =	sld [smem:$0x3F9B]  }
0x2a: {  	p0 =	seq.s32 s5, $0x0;
	s5 =	sld [smem:$0x3F9C]  }
0x2b: {  	s6 =	sld [smem:$0x3F9D]  }
0x2c: {  	s7 =	sld [smem:$0x3F9E]  }
0x2d: {  	s3 =	simm.s32 $0x108;
	s8 =	sld [smem:$0x3F9F]  }
0x2e: {  	s3 =	simm.s32 @!p0 $0x1082;
	s9 =	sld [smem:$0x3FA0]  }
0x2f: {  	lr =	sadd.s32 s0, s3;
	s0 =	sld [smem:$0x3F97]  }
0x30: {  	s3 =	sld [smem:$0x3F9A]  }
0x31: {  	[smem:$0x3FA3] =	sst s10  }
0x32: {  	s10 =	sld [smem:$0x3FA1];
	_ =	sdelay $0x3  }
0x33: {  	p0 =	seq.s32 s10, $0x1;
	s10 =	sld [smem:$0x3FA3];
	_ =	sdelay $0x3  }
0x34: {  	[smem:$0x3FA3] =	sst s10  }
0x35: {  	s10 =	sld [smem:$0x3FA2];
	_ =	sdelay $0x3  }
0x36: {  	p1 =	seq.s32 s10, $0x1;
	s10 =	sld [smem:$0x3FA3];
	_ =	sdelay $0x3  }
0x37: {  	[smem:$0x3FA3] =	sst s10  }
0x38: {  	s10 =	sld [smem:$0x3FA4]  }
0x39: {  	_ = 	snop;
	(pc) =	sbr.ind lr, $3  }
0x3a: {  	_ = 	snop  }
0x3b: {  	_ = 	snop  }
0x3c: {  	p2 =	seq.s32 s10, $0x1;
	s10 =	sld [smem:$0x3FA3]  }
0x3d: {  	_ =	shalt  }
0x3e: {  	_ =	shalt  }
0x3f: {  	_ =	shalt  }
0x40: {  	_ =	shalt  }
0x41: {  	_ =	shalt  }
0x42: {  	_ =	shalt  }
0x43: {  	_ =	shalt  }
0x44: {  	_ =	shalt  }
0x45: {  	_ =	shalt  }
0x46: {  	_ =	shalt  }
0x47: {  	_ =	shalt  }
0x48: {  	_ =	shalt  }
0x49: {  	_ =	shalt  }
0x4a: {  	_ =	shalt  }
0x4b: {  	_ =	shalt  }
0x4c: {  	_ =	shalt  }
0x4d: {  	_ =	shalt  }
0x4e: {  	_ =	shalt  }
0x4f: {  	_ =	shalt  }
0x50: {  	_ =	shalt  }
0x51: {  	_ =	shalt  }
0x52: {  	_ =	shalt  }
0x53: {  	_ =	shalt  }
0x54: {  	_ =	shalt  }
0x55: {  	_ =	shalt  }
0x56: {  	_ =	shalt  }
0x57: {  	_ =	shalt  }
0x58: {  	_ =	shalt  }
0x59: {  	_ =	shalt  }
0x5a: {  	_ =	shalt  }
0x5b: {  	_ =	shalt  }
0x5c: {  	_ =	shalt  }
0x5d: {  	_ =	shalt  }
0x5e: {  	_ =	shalt  }
0x5f: {  	_ =	shalt  }
0x60: {  	_ =	shalt  }
0x61: {  	_ =	shalt  }
0x62: {  	_ =	shalt  }
0x63: {  	_ =	shalt  }
0x64: {  	_ =	shalt  }
0x65: {  	_ =	shalt  }
0x66: {  	_ =	shalt  }
0x67: {  	_ =	shalt  }
0x68: {  	_ =	shalt  }
0x69: {  	_ =	shalt  }
0x6a: {  	_ =	shalt  }
0x6b: {  	_ =	shalt  }
0x6c: {  	_ =	shalt  }
0x6d: {  	_ =	shalt  }
0x6e: {  	_ =	shalt  }
0x6f: {  	_ =	shalt  }
0x70: {  	_ =	shalt  }
0x71: {  	_ =	shalt  }
0x72: {  	_ =	shalt  }
0x73: {  	_ =	shalt  }
0x74: {  	_ =	shalt  }
0x75: {  	_ =	shalt  }
0x76: {  	_ =	shalt  }
0x77: {  	_ =	shalt  }
0x78: {  	_ =	shalt  }
0x79: {  	_ =	shalt  }
0x7a: {  	_ =	shalt  }
0x7b: {  	_ =	shalt  }
0x7c: {  	_ =	shalt  }
0x7d: {  	_ =	shalt  }
0x7e: {  	_ =	shalt  }
0x7f: {  	_ =	shalt  }
0x80: {  	_ =	shalt  }
0x81: {  	_ =	shalt  }
0x82: {  	_ =	shalt  }
0x83: {  	_ =	shalt  }
0x84: {  	_ =	shalt  }
0x85: {  	_ =	shalt  }
0x86: {  	_ =	shalt  }
0x87: {  	_ =	shalt  }
.Lfunc_end0:
.L_simem_size_0:
called_computation_lowered:
.L_overlay_start_0:
0x88: {  	s2 =	sld [smem:$0x3FD9]  }
0x89: {  	s3 =	sld [smem:$0x3FFE];
	_ =	sdelay $0x1  }
0x8a: {  	s1 =	srdreg.scid  }
0x8b: {  	s0 =	sand.u32 $0x1, s1  }
0x8c: {  	s15 =	sshll.u32 s0, $0xA;
	s2 =	sadd.s32 s3, s2  }
0x8d: {  	s2 =	sadd.s32 s2, s15  }
0x8e: {  	[smem:$0x3FAF] =	sst s2  }
0x8f: {  	_ = 	snop  }
0x90: {  	s2 =	sld [smem:$0x3FD0];
	_ =	sdelay $0x2  }
0x91: {  	s16 =	simm.s32 $0xB;
	s4 =	simm.s32 $0x10  }
0x92: {  	[smem:s4], [sflag:s16] =	dma.local [hbm:s2], $0x1  }
0x93: {  	_ =	swait.eq [sflag:s16], $0x1  }
0x94: {  	[sflag:s16] =	ssyncset.done $0x0  }
0x95: {  	[sflag:s16] =	ssyncadd.s32 $0xFFFFFFFF  }
0x96: {  	s17 =	sld [smem:$0x10];
	(tm) =	ssettm $0x1  }
0x97: {  	s18 =	sld [smem:$0x3FFB];
	_ =	sdelay $0x3  }
0x98: {  	_ =	strace s18  }
0x99: {  	s2 =	sld [smem:$0x3FFC];
	_ =	sdelay $0x3  }
0x9a: {  	_ =	strace s2  }
0x9b: {  	s2 =	sld [smem:$0x3FFD];
	_ =	sdelay $0x3  }
0x9c: {  	_ =	strace s2  }
0x9d: {  	_ =	strace $0x8FFFFFFF  }
0x9e: {  	s19 =	sld [smem:$0x3FDB];
	_ =	sdelay $0x1  }
0x9f: {  	s20 =	simm.s32 $_scs_section_size  }
0xa0: {  	s5 =	simm.s32 $_size__tile_overlayer_lowered;
	s6 =	simm.s32 $_tile_overlayer_lowered  }
0xa1: {  	s7 =	simm.s32 $0x1BFF;
	s21 =	sshll.u32 s6, $0x1;
	s4 =	sadd.s32 s20, s19  }
0xa2: {  	s22 =	simm.s32 $0x0;
	s5 =	sshll.u32 s5, $0x1;
	s6 =	sadd.s32 s21, s4  }
0xa3: {  	[timem:s22], [sflag:s7] =	dma.local [hbm:s6], s5  }
0xa4: {  	_ =	swait.ge [sflag:s7], s5  }
0xa5: {  	s5 =	ssub.s32 $0x0, s5;
	[sflag:s7] =	ssyncset.done $0x0  }
0xa6: {  	[sflag:s7] =	ssyncadd.s32 s5;
	_ =	sdelay $0x1  }
0xa7: {  	s23 =	simm.s32 $0x1B8B  }
0xa8: {  	_ =	swait.ge [sflag:s23], $0x1  }
0xa9: {  	[sflag:s23] =	ssyncset.done $0x0  }
0xaa: {  	[sflag:s23] =	ssyncadd.s32 $0xFFFFFFFF  }
0xab: {  	s5 =	sld [smem:$0x0]  }
0xac: {  	s6 =	sand.u32 $0xFFFFFFFE, s1  }
0xad: {  	p0 =	sne.s32 s1, s6  }
0xae: {  	s6 =	sshll.u32 @p0 s6, $0xE  }
0xaf: {  	s6 =	sadd.s32 @p0 $0x11B8D, s6;
	s7 =	sshll.u32 @p0 s5, $0x11  }
0xb0: {  	s6 =	sor.u32 @p0 s7, s6  }
0xb1: {  	[sflag:s6] =	ssyncadd.remote.s32 @p0 $0x1;
	_ =	sdelay $0x1  }
0xb2: {  	s6 =	simm.s32 @p0 $0x1B8D  }
0xb3: {  	_ =	swait.eq @p0 [sflag:s6], $0x1  }
0xb4: {  	[sflag:s6] =	ssyncadd.s32 @p0 $0xFFFFFFFF  }
0xb5: {  	s7 =	sshll.u32 @!p0 s1, $0xE  }
0xb6: {  	s7 =	sor.u32 @!p0 $0x4000, s7;
	s6 =	simm.s32 @!p0 $0x1B8D  }
0xb7: {  	s5 =	sshll.u32 @!p0 s5, $0x11;
	s7 =	sadd.s32 @!p0 $0x11B8D, s7;
	_ =	swait.eq @!p0 [sflag:s6], $0x1  }
0xb8: {  	s5 =	sor.u32 @!p0 s5, s7;
	[sflag:s6] =	ssyncadd.s32 @!p0 $0xFFFFFFFF  }
0xb9: {  	s25 =	simm.s32 $0x1B8E;
	s24 =	sld [smem:$0x3FFE];
	[sflag:s5] =	ssyncadd.remote.s32 @!p0 $0x1  }
0xba: {  	s26 =	simm.s32 $execute0_lowered;
	[smem:$0x3FD2] =	sst s25  }
0xbb: {  	s6 =	sshll.u32 s26, $0x1;
	_ =	strace $0x80000049;
	[dreg:$0x1] =	wrdreg $0xFFFFFFFF  }
0xbc: {  	s28 =	simm.s32 $_size_execute0_lowered;
	s4 =	sadd.s32 s4, s6;
	[dreg:$0x0] =	wrdreg $0x0  }
0xbd: {  	s6 =	sshll.u32 s28, $0x1;
	[dreg:$0x2] =	wrdreg s4  }
0xbe: {  	[dreg:$0x3] =	wrdreg s6  }
0xbf: {  	[dreg:$0x4] =	wrdreg $0xC0  }
0xc0: {  	_ =	task [dreg:s22], $0x5FFFF  }
0xc1: {  	[dreg:$0x1] =	wrdreg $0xFFFFFFFF  }
0xc2: {  	[dreg:$0x0] =	wrdreg $0x60  }
0xc3: {  	[dreg:$0x2] =	wrdreg s17  }
0xc4: {  	[dreg:$0x3] =	wrdreg s24  }
0xc5: {  	[dreg:$0x4] =	wrdreg $0xA0A00  }
0xc6: {  	[dreg:$0x5] =	wrdreg $0x9  }
0xc7: {  	_ =	task.clear_ibuf [dreg:s22], $0x6FFFF;
	_ =	strace $0x90000049  }
0xc8: {  	s29 =	simm.s32 $0x9;
	_ =	strace $0x8000004B  }
0xc9: {  	_ =	swait.ge [sflag:s29], $0x1  }
0xca: {  	[sflag:s29] =	ssyncadd.s32 $0xFFFFFFFF  }
0xcb: {  	_ =	strace $0x9000004B  }
0xcc: {  	_ =	sfence  }
0xcd: {  	s30 =	sld [smem:$0x0];
	_ =	sdelay $0x2  }
0xce: {  	s31 =	sshll.u32 s1, $0xD;
	s1 =	sshrl.u32 s1, $0x2  }
0xcf: {  	s4 =	sand.u32 $0x4000, s31;
	s1 =	sadd.s32 s1, s30  }
0xd0: {  	s0 =	sor.u32 s4, s0;
	s1 =	sshll.u32 s1, $0x11  }
0xd1: {  	s0 =	sor.u32 s1, s0  }
0xd2: {  	s0 =	sadd.s32 $0x8F2B, s0  }
0xd3: {  	[sflag:s0] =	ssyncadd.remote.s32 $0x1  }
0xd4: {  	_ =	sfence.sel $0xFFFF  }
0xd5: {  	[dreg:$0x0] =	wrdreg $0xFFFFFFFF;
	(pc) =	sbr.abs _section_cstart, $3  }
0xd6: {  	[dreg:$0x1] =	wrdreg $0xFFFFFFFF  }
0xd7: {  	_ =	task.clear_ibuf [dreg:s22], $0x2FFFF;
	_ =	strace $0x9FFFFFFF  }
0xd8: {  	(tm) =	ssettm $0x7FFFFFFF  }
0xd9: {  	_ =	shalt  }
tec
execute0_lowered:
.L_overlay_start_1:
0x0: {  	(tag) =	ssettag $0x1  }
0x1: {  	s1 =	rddreg [dreg:$0x0]  }
0x2: {  	s9 =	rddreg [dreg:$0x1]  }
0x3: {  	s3 =	rddreg [dreg:$0x2]  }
0x4: {  	s0 =	rddreg [dreg:$0x3]  }
0x5: {  	s4 =	simm.s32 $0x0;
	s2 =	stileid.u32;
	s5 =	srdreg.scid  }
0x6: {  	s16 =	simm.s32 $0x50;
	s17 =	simm.s32 $0xA0;
	s18 =	simm.s32 $0x28A0  }
0x7: {  	s19 =	simm.s32 $0x50A0;
	s20 =	simm.s32 $0x1;
	s21 =	simm.s32 $0x2  }
0x8: {  	s22 =	simm.s32 $0x3;
	s23 =	simm.s32 $0x78A0;
	[smem:$0x7FF] =	sst s4  }
0x9: {  	s10 =	smul.u32 $0x13880, s2;
	s11 =	sand.u32 $0x1, s5;
	s5 =	sadd.s32 $0x509200, s9  }
0xa: {  	s6 =	sadd.s32 $0x530400, s9;
	s7 =	sadd.s32 $0xE400, s9;
	s8 =	sadd.s32 $0x4600, s9  }
0xb: {  	s29 =	sshll.u32 s2, $0x1;
	s31 =	sshll.u32 s2, $0x6;
	_ =	strace $0x8000004A  }
0xc: {  	s12 =	smul.u32 $0x138800, s11;
	s14 =	ssub.s32 $0x2, s11;
	s11 =	sor.u32 s11, s29  }
0xd: {  	s13 =	sshrl.u32 s10, $0x3;
	s15 =	sshrl.u32 s14, $0x1;
	s30 =	sadd.s32 s10, s3  }
0xe: {  	s11 =	smul.u32 $0x2710, s11;
	s12 =	sadd.s32 s10, s12;
	s13 =	sadd.s32 s13, s9  }
0xf: {  	s14 =	ssub.s32 s14, s15;
	s10 =	sor.u32 $0x1C04, s31;
	s12 =	sshrl.u32 s12, $0x3  }
0x10: {  	s15 =	simm.s32 $0x4;
	s12 =	sadd.s32 s12, s9;
	s9 =	sadd.s32 $0x27200, s13  }
0x11: {  	s13 =	smax.u32 s14, $0x1;
	s14 =	sshrl.u32 s30, $0x3;
	s12 =	sadd.s32 $0x4E400, s12  }
.LBB2_1:
0x12: {  	[spmem:s14], [sflag:s10] =	dma.local [hbm:s9], $0x2710  }
0x13: {  	_ =	swait.ge [sflag:s15], $0x2710  }
0x14: {  	[sflag:s15] =	ssyncset.done $0x0  }
0x15: {  	[sflag:s15] =	ssyncadd.s32 $0xFFFFD8F0  }
0x16: {  	s24 =	simm.s32 $0x0;
	[bflag:$0x0] =	sbarrier.arrive $0xFFFF  }
.LBB2_2:
0x17: {  	s25 =	smul.u32 $0x50, s24;
	_ =	sdelay $0x1  }
0x18: {  	s25 =	sadd.s32 s11, s25  }
0x19: {  	s26 =	sshrl.u32 s25, $0x3  }
0x1a: {  	s29 =	simm.s32 $0x0;
	s28 =	sadd.s32 s7, s26  }
0x1b: {  	[tilespmem:s29], [sflag:$0x4] =	stream.linear.gather [hbm4b:s28+s29], $0x50, $0x38;
	[tilespmem:$0x1D920] =	vst v63  }
0x1c: {  	_ =	swait.ge [sflag:s15], $0x50  }
0x1d: {  	[sflag:s15] =	ssyncset.done $0x0  }
0x1e: {  	s26 =	sadd.s32 s8, s26;
	[sflag:s15] =	ssyncadd.s32 $0xFFFFFFB0  }
0x1f: {  	[tilespmem:s16], [sflag:$0x4] =	stream.linear.gather [hbm4b:s26+s29], $0x50, $0x38;
	[tilespmem:$0x1D920] =	vst v63  }
0x20: {  	_ =	swait.ge [sflag:s15], $0x50  }
0x21: {  	[sflag:s15] =	ssyncset.done $0x0  }
0x22: {  	[sflag:s15] =	ssyncadd.s32 $0xFFFFFFB0  }
0x23: {  	[tilespmem:s17], [sflag:$0x1] =	stream.indirect.gather [hbm4b:s1+s16], $0x80, s16, s16, $0xb8;
	[tilespmem:$0x1D920] =	vst v63  }
0x24: {  	s25 =	sshll.u32 s25, $0x4  }
0x25: {  	[tilespmem:s18], [sflag:$0x2] =	stream.indirect.gather [hbm4b:s5+s16], $0x80, s29, s16, $0xb8;
	[tilespmem:$0x1D920] =	vst v63  }
0x26: {  	s25 =	sadd.s32 s6, s25  }
0x27: {  	[tilespmem:s19], [sflag:$0x3] =	stream.linear.gather [hbm4b:s25+s29], $0x2800, $0x38;
	[tilespmem:$0x1D920] =	vst v63  }
0x28: {  	_ =	swait.ge [sflag:s20], $0x2800  }
0x29: {  	[sflag:s20] =	ssyncset.done $0x0  }
0x2a: {  	[sflag:s20] =	ssyncadd.s32 $0xFFFFD800  }
0x2b: {  	_ =	swait.ge [sflag:s21], $0x2800  }
0x2c: {  	[sflag:s21] =	ssyncset.done $0x0  }
0x2d: {  	[sflag:s21] =	ssyncadd.s32 $0xFFFFD800  }
0x2e: {  	_ =	swait.ge [sflag:s22], $0x2800  }
0x2f: {  	[sflag:s22] =	ssyncset.done $0x0  }
0x30: {  	s28 =	simm.s32 $0x0;
	[sflag:s22] =	ssyncadd.s32 $0xFFFFD800  }
0x31: {  	v0 =	vld [tilespmem:s28+$0x110]  }
0x32: {  	v1 =	vld [tilespmem:s28+$0x2910];
	_ =	sdelay $0x1  }
0x33: {  	v3 =	vld [tilespmem:s28+$0x5110];
	_ =	sdelay $0x1  }
0x34: {  	v2 =	vld [tilespmem:s28+$0xA0]  }
0x35: {  	v4 =	vld [tilespmem:s28+$0x28A0];
	v0 =	vadd.f32 v1, v0  }
0x36: {  	v5 =	vld [tilespmem:s28+$0xB0]  }
0x37: {  	v6 =	vld [tilespmem:s28+$0x28B0];
	v0 =	vadd.f32 v3, v0  }
0x38: {  	v7 =	vld [tilespmem:s28+$0x28C0]  }
0x39: {  	v8 =	vld [tilespmem:s28+$0x28D0];
	v9 =	vsub.f32 $0.0e+00, v0  }
0x3a: {  	v10 =	vld [tilespmem:s28+$0xE0]  }
0x3b: {  	v11 =	vld [tilespmem:s28+$0x28E0];
	v9 =	vmul.f32 $1.442695020e+00, v9  }
0x3c: {  	v12 =	vld [tilespmem:s28+$0xF0]  }
0x3d: {  	v13 =	vld [tilespmem:s28+$0x28F0];
	(erf) = vpow2.f32 v9  }
0x3e: {  	v14 =	vld [tilespmem:s28+$0x2900]  }
0x3f: {  	v15 =	vld [tilespmem:s28+$0x50A0]  }
0x40: {  	v16 =	vld [tilespmem:s28+$0x50B0]  }
0x41: {  	v17 =	vld [tilespmem:s28+$0x50C0]  }
0x42: {  	v18 =	vld [tilespmem:s28+$0x50D0]  }
0x43: {  	v19 =	vld [tilespmem:s28+$0x50E0]  }
0x44: {  	v20 =	vld [tilespmem:s28+$0x50F0]  }
0x45: {  	v21 =	vld [tilespmem:s28+$0x5100]  }
0x46: {  	v1 =	vld [tilespmem:s28+$0xC0];
	v22 =	vpop (erf)  }
0x47: {  	s25 =	simm.s32 $0x80;
	v3 =	vld [tilespmem:s28+$0xD0];
	v22 =	vadd.f32 $1.000000000e+00, v22  }
0x48: {  	v23 =	vld [tilespmem:s25+$0x110];
	v2 =	vadd.f32 v4, v2  }
0x49: {  	v24 =	vld [tilespmem:s25+$0x2910];
	v5 =	vadd.f32 v6, v5;
	(erf) = vrcp.f32 v22  }
0x4a: {  	v25 =	vld [tilespmem:s25+$0xA0];
	v15 =	vadd.f32 v15, v2;
	v2 =	vadd.f32 v11, v10  }
0x4b: {  	v27 =	vld [tilespmem:s25+$0x28E0];
	v10 =	vadd.f32 v16, v5;
	v1 =	vadd.f32 v7, v1  }
0x4c: {  	v4 =	vld [tilespmem:s25+$0x5110];
	v16 =	vsub.f32 $0.0e+00, v15;
	v3 =	vadd.f32 v8, v3  }
0x4d: {  	v28 =	vld [tilespmem:s25+$0xF0];
	v11 =	vadd.f32 v19, v2;
	v1 =	vadd.f32 v17, v1  }
0x4e: {  	v6 =	vld [tilespmem:s25+$0x28A0];
	v2 =	vmul.f32 $1.442695020e+00, v16;
	v8 =	vadd.f32 v18, v3;
	v3 =	vsub.f32 $0.0e+00, v10  }
0x4f: {  	v23 =	vadd.f32 v24, v23;
	v9 =	vld [tilespmem:s28+$0x100];
	v22 =	vsub.f32 $0.0e+00, v1  }
0x50: {  	v24 =	vld [tilespmem:s25+$0xD0];
	v3 =	vmul.f32 $1.442695020e+00, v3  }
0x51: {  	v5 =	vld [tilespmem:s25+$0x28B0];
	v23 =	vadd.f32 v4, v23;
	(erf) = vpow2.f32 v2;
	v22 =	vmul.f32 $1.442695020e+00, v22  }
0x52: {  	v19 =	vld [tilespmem:s25+$0x28D0];
	v26 =	vsub.f32 $0.0e+00, v11;
	v16 =	vsub.f32 $0.0e+00, v8;
	(erf) = vpow2.f32 v3;
	v2 =	vpop (erf)  }
0x53: {  	v7 =	vld [tilespmem:s25+$0xB0];
	(erf) = vpow2.f32 v22;
	v0 =	vmul.f32 v2, v0;
	v2 =	vadd.f32 v13, v12  }
0x54: {  	v4 =	vld [tilespmem:s25+$0xE0];
	v16 =	vmul.f32 $1.442695020e+00, v16;
	v9 =	vadd.f32 v14, v9;
	v3 =	vsub.f32 $0.0e+00, v23  }
0x55: {  	v17 =	vld [tilespmem:s25+$0xC0];
	v12 =	vmul.f32 $1.442695020e+00, v26;
	v2 =	vadd.f32 v20, v2  }
0x56: {  	v18 =	vld [tilespmem:s25+$0x28C0];
	v14 =	vmul.f32 $1.442695020e+00, v3;
	v3 =	vadd.f32 v21, v9;
	(erf) = vpow2.f32 v16  }
0x57: {  	v13 =	vld [tilespmem:s25+$0x28F0];
	[tilespmem:s28+$0x7910] =	vst v0;
	(erf) = vpow2.f32 v12;
	v9 =	vsub.f32 $0.0e+00, v2  }
0x58: {  	v16 =	vsub.f32 $0.0e+00, v3;
	v0 =	vld [tilespmem:s25+$0x100];
	(erf) = vpow2.f32 v14  }
0x59: {  	v12 =	vld [tilespmem:s25+$0x2900];
	v9 =	vmul.f32 $1.442695020e+00, v9  }
0x5a: {  	v16 =	vmul.f32 $1.442695020e+00, v16;
	v22 =	vpop (erf);
	v14 =	vld [tilespmem:s25+$0x50A0]  }
0x5b: {  	v20 =	vld [tilespmem:s25+$0x50B0];
	(erf) = vpow2.f32 v9;
	v9 =	vadd.f32 $1.000000000e+00, v22;
	v22 =	vpop (erf)  }
0x5c: {  	v21 =	vld [tilespmem:s25+$0x50C0];
	(erf) = vpow2.f32 v16;
	v16 =	vadd.f32 $1.000000000e+00, v22;
	v22 =	vpop (erf)  }
0x5d: {  	v26 =	vld [tilespmem:s25+$0x50D0];
	v22 =	vadd.f32 $1.000000000e+00, v22  }
0x5e: {  	v29 =	vld [tilespmem:s25+$0x50E0]  }
0x5f: {  	v30 =	vld [tilespmem:s25+$0x50F0];
	(erf) = vrcp.f32 v9;
	v9 =	vpop (erf)  }
0x60: {  	s26 =	simm.s32 $0x100;
	v6 =	vadd.f32 v6, v25;
	v31 =	vld [tilespmem:s25+$0x5100];
	(erf) = vrcp.f32 v16;
	v9 =	vadd.f32 $1.000000000e+00, v9;
	v16 =	vpop (erf)  }
0x61: {  	v5 =	vadd.f32 v5, v7;
	v32 =	vld [tilespmem:s26+$0x110];
	(erf) = vrcp.f32 v22;
	v22 =	vpop (erf);
	v16 =	vadd.f32 $1.000000000e+00, v16  }
0x62: {  	v4 =	vadd.f32 v27, v4;
	v33 =	vld [tilespmem:s26+$0x2910];
	(erf) = vrcp.f32 v9;
	v9 =	vadd.f32 $1.000000000e+00, v22  }
0x63: {  	v17 =	vadd.f32 v18, v17;
	v18 =	vadd.f32 v19, v24;
	v25 =	vld [tilespmem:s26+$0x28A0];
	(erf) = vrcp.f32 v16  }
0x64: {  	v19 =	vld [tilespmem:s26+$0xB0];
	v13 =	vadd.f32 v13, v28;
	(erf) = vrcp.f32 v9;
	v9 =	vadd.f32 v14, v6  }
0x65: {  	v24 =	vld [tilespmem:s26+$0x28B0];
	v12 =	vadd.f32 v12, v0;
	v7 =	vadd.f32 v20, v5  }
0x66: {  	v16 =	vld [tilespmem:s26+$0x5110];
	v14 =	vpop (erf);
	v6 =	vadd.f32 v21, v17;
	v0 =	vsub.f32 $0.0e+00, v9  }
0x67: {  	v58 =	vld [tilespmem:s26+$0xC0];
	v5 =	vadd.f32 v26, v18;
	v4 =	vadd.f32 v29, v4;
	v27 =	vpop (erf)  }
0x68: {  	v34 =	vld [tilespmem:s26+$0x28C0];
	v21 =	vsub.f32 $0.0e+00, v7;
	v20 =	vpop (erf);
	v36 =	vsub.f32 $0.0e+00, v6;
	v26 =	vmul.f32 $1.442695020e+00, v0  }
0x69: {  	v35 =	vld [tilespmem:s26+$0x28D0];
	v60 =	vadd.f32 v33, v32;
	v62 =	vsub.f32 $0.0e+00, v5;
	v15 =	vmul.f32 v20, v15;
	v17 =	vpop (erf)  }
0x6a: {  	v61 =	vld [tilespmem:s26+$0x28E0];
	v21 =	vmul.f32 $1.442695020e+00, v21;
	v0 =	vadd.f32 v30, v13;
	v36 =	vmul.f32 $1.442695020e+00, v36;
	v59 =	vpop (erf)  }
0x6b: {  	v18 =	vld [tilespmem:s26+$0xD0];
	v17 =	vmul.f32 v17, v10;
	v10 =	vadd.f32 v16, v60;
	(erf) = vpow2.f32 v26;
	v13 =	vpop (erf)  }
0x6c: {  	v22 =	vld [tilespmem:s26+$0xA0];
	v29 =	vmul.f32 v59, v1;
	(erf) = vpow2.f32 v21;
	v21 =	vsub.f32 $0.0e+00, v4;
	v26 =	vpop (erf)  }
0x6d: {  	v20 =	vld [tilespmem:s26+$0xE0];
	[tilespmem:s28+$0x78A0] =	vst v15;
	v30 =	vsub.f32 $0.0e+00, v10;
	(erf) = vpow2.f32 v36;
	v8 =	vmul.f32 v13, v8;
	v15 =	vpop (erf)  }
0x6e: {  	v1 =	vadd.f32 v31, v12;
	v15 =	vmul.f32 v15, v23;
	v23 =	vmul.f32 $1.442695020e+00, v62  }
0x6f: {  	v16 =	vld [tilespmem:s26+$0xF0];
	[tilespmem:s28+$0x78B0] =	vst v17;
	v17 =	vsub.f32 $0.0e+00, v0;
	v21 =	vmul.f32 $1.442695020e+00, v21;
	v12 =	vmul.f32 $1.442695020e+00, v30  }
0x70: {  	v63 =	vld [tilespmem:s26+$0x28F0];
	v13 =	vsub.f32 $0.0e+00, v1;
	v11 =	vmul.f32 v26, v11;
	[tilespmem:s25+$0x7910] =	vst v15;
	(erf) = vpow2.f32 v23  }
0x71: {  	v17 =	vmul.f32 $1.442695020e+00, v17;
	v23 =	vld [tilespmem:s26+$0x100];
	(erf) = vpow2.f32 v21;
	[tilespmem:s28+$0x78C0] =	vst v29  }
0x72: {  	(erf) = vpow2.f32 v12;
	v12 =	vld [tilespmem:s26+$0x2900];
	[tilespmem:s28+$0x78D0] =	vst v8;
	v8 =	vadd.f32 $1.000000000e+00, v14;
	v14 =	vmul.f32 $1.442695020e+00, v13  }
0x73: {  	(erf) = vpow2.f32 v17  }
0x74: {  	v17 =	vadd.f32 v25, v22;
	v22 =	vld [tilespmem:s26+$0x50A0];
	[tilespmem:s28+$0x78E0] =	vst v11;
	v11 =	vpop (erf);
	(erf) = vpow2.f32 v14  }
0x75: {  	v21 =	vadd.f32 $1.000000000e+00, v27;
	(erf) = vrcp.f32 v8;
	v8 =	vadd.f32 $1.000000000e+00, v11;
	_ =	sdelay $0x1  }
0x76: {  	v24 =	vadd.f32 v24, v19;
	v13 =	vadd.f32 v35, v18;
	v18 =	vld [tilespmem:s26+$0x50B0];
	v11 =	vpop (erf);
	(erf) = vrcp.f32 v21  }
0x77: {  	v26 =	vld [tilespmem:s26+$0x50C0];
	v14 =	vadd.f32 v63, v16;
	v11 =	vadd.f32 $1.000000000e+00, v11;
	v16 =	vpop (erf)  }
0x78: {  	v15 =	vadd.f32 v61, v20;
	v21 =	vld [tilespmem:s26+$0x50D0];
	v27 =	vadd.f32 $1.000000000e+00, v16;
	(erf) = vrcp.f32 v8;
	v8 =	vpop (erf)  }
0x79: {  	v20 =	vld [tilespmem:s26+$0x50E0];
	v16 =	vadd.f32 v12, v23;
	(erf) = vrcp.f32 v11;
	v12 =	vadd.f32 $1.000000000e+00, v8  }
0x7a: {  	v25 =	vadd.f32 v34, v58;
	v19 =	vld [tilespmem:s26+$0x50F0];
	v8 =	vadd.f32 v22, v17;
	v17 =	vpop (erf);
	(erf) = vrcp.f32 v27  }
0x7b: {  	s29 =	simm.s32 $0x180;
	v11 =	vadd.f32 v18, v24;
	v18 =	vld [tilespmem:s26+$0x5100];
	v24 =	vpop (erf);
	v23 =	vadd.f32 $1.000000000e+00, v17;
	(erf) = vrcp.f32 v12  }
0x7c: {  	s30 =	simm.s32 $0x800;
	v22 =	vld [tilespmem:s29+$0x110];
	v12 =	vadd.f32 v26, v25;
	v24 =	vadd.f32 $1.000000000e+00, v24;
	v17 =	vpop (erf)  }
.LBB2_3:
0x7d: {  	p0 =	sne.s32 s30, $0x9E00;
	v25 =	vld [tilespmem:s29+$0x2910];
	v26 =	vsub.f32 $0.0e+00, v8;
	v13 =	vadd.f32 v21, v13;
	(erf) = vrcp.f32 v23;
	v21 =	vpop (erf)  }
0x7e: {  	v27 =	vsub.f32 $0.0e+00, v11;
	v23 =	vld [tilespmem:s29+$0xA0];
	v15 =	vadd.f32 v20, v15;
	(erf) = vrcp.f32 v24;
	v20 =	vpop (erf)  }
0x7f: {  	v28 =	vsub.f32 $0.0e+00, v12;
	v24 =	vld [tilespmem:s29+$0x5110];
	v26 =	vmul.f32 $1.442695020e+00, v26;
	v14 =	vadd.f32 v19, v14;
	v19 =	vpop (erf)  }
0x80: {  	v27 =	vmul.f32 $1.442695020e+00, v27;
	v30 =	vsub.f32 $0.0e+00, v13;
	v29 =	vld [tilespmem:s29+$0x28A0];
	v16 =	vadd.f32 v18, v16  }
0x81: {  	v28 =	vmul.f32 $1.442695020e+00, v28;
	v31 =	vsub.f32 $0.0e+00, v15;
	v18 =	vld [tilespmem:s29+$0xB0];
	v32 =	vsub.f32 $0.0e+00, v14;
	v33 =	vpop (erf)  }
0x82: {  	v34 =	vld [tilespmem:s29+$0x28B0];
	v22 =	vadd.f32 v25, v22;
	v25 =	vmul.f32 $1.442695020e+00, v30;
	v30 =	vsub.f32 $0.0e+00, v16;
	v35 =	vpop (erf)  }
0x83: {  	v17 =	vadd.f32 $1.000000000e+00, v17;
	v31 =	vmul.f32 $1.442695020e+00, v31;
	v36 =	vld [tilespmem:s29+$0xC0];
	v32 =	vmul.f32 $1.442695020e+00, v32;
	v37 =	vpop (erf)  }
0x84: {  	v38 =	vld [tilespmem:s29+$0x28C0];
	v22 =	vadd.f32 v24, v22;
	v24 =	vmul.f32 $1.442695020e+00, v30;
	(erf) = vpow2.f32 v26;
	v26 =	vpop (erf)  }
0x85: {  	v21 =	vadd.f32 $1.000000000e+00, v21;
	v23 =	vadd.f32 v29, v23;
	v29 =	vld [tilespmem:s29+$0xD0];
	(erf) = vpow2.f32 v27  }
0x86: {  	v39 =	vmul.f32 v33, v9;
	v27 =	vld [tilespmem:s29+$0x28D0];
	v30 =	vsub.f32 $0.0e+00, v22;
	(erf) = vpow2.f32 v28;
	v28 =	vpop (erf)  }
0x87: {  	v18 =	vadd.f32 v34, v18;
	v33 =	vld [tilespmem:s29+$0xE0];
	(erf) = vpow2.f32 v25;
	v25 =	vpop (erf);
	v34 =	vmul.f32 v35, v7  }
0x88: {  	v9 =	vmovc v8;
	v7 =	vmovc v11;
	v35 =	vld [tilespmem:s29+$0x28E0];
	v30 =	vmul.f32 $1.442695020e+00, v30;
	v25 =	vmul.f32 v25, v10;
	[tilespmem:s25+$0x78A0] =	vst v39;
	v10 =	vmov v22  }
0x89: {  	v11 =	vmul.f32 v37, v6;
	v6 =	vmovc v12;
	v36 =	vadd.f32 v38, v36;
	v8 =	vld [tilespmem:s29+$0xF0];
	(erf) = vpow2.f32 v31;
	[tilespmem:s25+$0x78B0] =	vst v34  }
0x8a: {  	v22 =	vmul.f32 v26, v5;
	v5 =	vmov v13;
	v12 =	vld [tilespmem:s29+$0x28F0];
	(erf) = vpow2.f32 v30;
	[tilespmem:s26+$0x7910] =	vst v25  }
0x8b: {  	v13 =	vadd.f32 v27, v29;
	v25 =	vld [tilespmem:s29+$0x100];
	(erf) = vpow2.f32 v32;
	[tilespmem:s25+$0x78C0] =	vst v11;
	v11 =	vmul.f32 v28, v4;
	v4 =	vmovc v15  }
0x8c: {  	v20 =	vmul.f32 v20, v2;
	v2 =	vmovc v0;
	v0 =	vmov v14;
	v26 =	vld [tilespmem:s29+$0x2900];
	(erf) = vpow2.f32 v24;
	[tilespmem:s25+$0x78D0] =	vst v22  }
0x8d: {  	v22 =	vld [tilespmem:s29+$0x50A0];
	v15 =	vadd.f32 v35, v33;
	v14 =	vpop (erf);
	[tilespmem:s25+$0x78E0] =	vst v11;
	(erf) = vrcp.f32 v17;
	v11 =	vmul.f32 v19, v3  }
0x8e: {  	v3 =	vmov v1;
	v17 =	vld [tilespmem:s29+$0x50B0];
	v19 =	vadd.f32 $1.000000000e+00, v14;
	v24 =	vpop (erf);
	(erf) = vrcp.f32 v21;
	[tilespmem:s28+$0x78F0] =	vst v20  }
0x8f: {  	v1 =	vmov v16;
	v27 =	vld [tilespmem:s29+$0x50C0];
	v14 =	vadd.f32 v12, v8;
	v8 =	vadd.f32 $1.000000000e+00, v24;
	v12 =	vpop (erf);
	[tilespmem:s28+$0x7900] =	vst v11;
	s28 =	smov.u32 s25;
	s25 =	smov.u32 s26;
	s26 =	smov.u32 s29  }
.Ltmp0:
0x90: {  	v21 =	vld [tilespmem:s26+$0x50D0];
	v11 =	vadd.f32 $1.000000000e+00, v12;
	(erf) = vrcp.f32 v19;
	v12 =	vpop (erf);
	(pc) =	sbr.rel @p0 .LBB2_3-.Ltmp0, $4  }
0x91: {  	v20 =	vld [tilespmem:s26+$0x50E0];
	v16 =	vadd.f32 v26, v25;
	v12 =	vadd.f32 $1.000000000e+00, v12;
	(erf) = vrcp.f32 v8  }
0x92: {  	v8 =	vadd.f32 v22, v23;
	v19 =	vld [tilespmem:s26+$0x50F0];
	(erf) = vrcp.f32 v11;
	v22 =	vpop (erf)  }
0x93: {  	s29 =	sshra.s32 s30, $0x2;
	v11 =	vadd.f32 v17, v18;
	v18 =	vld [tilespmem:s26+$0x5100];
	v17 =	vpop (erf);
	v23 =	vadd.f32 $1.000000000e+00, v22;
	(erf) = vrcp.f32 v12  }
0x94: {  	s30 =	sadd.s32 $0x200, s30;
	v22 =	vld [tilespmem:s29+$0x110];
	v12 =	vadd.f32 v27, v36;
	v24 =	vadd.f32 $1.000000000e+00, v17;
	v17 =	vpop (erf)  }
0x95: {  	v25 =	vld [tilespmem:s29+$0x2910]  }
0x96: {  	v26 =	vld [tilespmem:s29+$0xA0];
	(erf) = vrcp.f32 v23  }
0x97: {  	v27 =	vld [tilespmem:s29+$0x5110];
	v28 =	vpop (erf);
	v36 =	vsub.f32 $0.0e+00, v8;
	(erf) = vrcp.f32 v24  }
0x98: {  	v63 =	vld [tilespmem:s29+$0x28A0];
	v30 =	vpop (erf)  }
0x99: {  	v45 =	vld [tilespmem:s29+$0xB0];
	v32 =	vpop (erf);
	v36 =	vmul.f32 $1.442695020e+00, v36  }
0x9a: {  	v29 =	vld [tilespmem:s29+$0x28B0];
	v46 =	vsub.f32 $0.0e+00, v11;
	v47 =	vsub.f32 $0.0e+00, v12;
	v34 =	vpop (erf)  }
0x9b: {  	v31 =	vld [tilespmem:s29+$0xC0];
	(erf) = vpow2.f32 v36;
	v34 =	vmul.f32 v34, v9;
	v9 =	vadd.f32 v21, v13  }
0x9c: {  	v33 =	vld [tilespmem:s29+$0x28C0];
	v37 =	vpop (erf);
	v13 =	vadd.f32 v20, v15;
	v21 =	vmul.f32 $1.442695020e+00, v46;
	v22 =	vadd.f32 v25, v22  }
0x9d: {  	v35 =	vld [tilespmem:s29+$0xD0];
	v15 =	vmul.f32 $1.442695020e+00, v47;
	v39 =	vpop (erf);
	v7 =	vmul.f32 v37, v7;
	v50 =	vsub.f32 $0.0e+00, v9  }
0x9e: {  	v38 =	vld [tilespmem:s29+$0x28D0];
	v41 =	vpop (erf);
	v22 =	vadd.f32 v27, v22;
	v51 =	vsub.f32 $0.0e+00, v13;
	(erf) = vpow2.f32 v21  }
0x9f: {  	v40 =	vld [tilespmem:s29+$0xE0];
	v6 =	vmul.f32 v39, v6;
	v48 =	vpop (erf);
	v53 =	vmul.f32 $1.442695020e+00, v50  }
0xa0: {  	v42 =	vld [tilespmem:s29+$0x28E0];
	[tilespmem:s25+$0x78A0] =	vst v34;
	(erf) = vpow2.f32 v15;
	v54 =	vmul.f32 $1.442695020e+00, v51;
	v55 =	vsub.f32 $0.0e+00, v22;
	v49 =	vpop (erf)  }
0xa1: {  	v34 =	vld [tilespmem:s29+$0xF0];
	[tilespmem:s25+$0x78B0] =	vst v7;
	v7 =	vadd.f32 v19, v14;
	v10 =	vmul.f32 v49, v10;
	(erf) = vpow2.f32 v53  }
0xa2: {  	v57 =	vmul.f32 v41, v5;
	v5 =	vadd.f32 v18, v16;
	v59 =	vmul.f32 $1.442695020e+00, v55  }
0xa3: {  	v62 =	vadd.f32 $1.000000000e+00, v17;
	v52 =	vld [tilespmem:s29+$0x28F0];
	v58 =	vsub.f32 $0.0e+00, v7;
	(erf) = vpow2.f32 v54;
	[tilespmem:s26+$0x7910] =	vst v10  }
0xa4: {  	v4 =	vmul.f32 v48, v4;
	v61 =	vsub.f32 $0.0e+00, v5;
	(erf) = vpow2.f32 v59;
	v56 =	vld [tilespmem:s29+$0x100];
	[tilespmem:s25+$0x78C0] =	vst v6  }
0xa5: {  	v28 =	vadd.f32 $1.000000000e+00, v28;
	v2 =	vmul.f32 v30, v2;
	v6 =	vmul.f32 $1.442695020e+00, v58;
	v60 =	vld [tilespmem:s29+$0x2900];
	[tilespmem:s25+$0x78D0] =	vst v57  }
0xa6: {  	v3 =	vmul.f32 v32, v3;
	v63 =	vadd.f32 v63, v26;
	v27 =	vmul.f32 $1.442695020e+00, v61;
	v14 =	vld [tilespmem:s29+$0x50A0];
	[tilespmem:s25+$0x78E0] =	vst v4  }
0xa7: {  	v29 =	vadd.f32 v29, v45;
	v31 =	vadd.f32 v33, v31;
	v33 =	vpop (erf);
	(erf) = vpow2.f32 v6;
	v30 =	vld [tilespmem:s29+$0x50B0];
	[tilespmem:s28+$0x78F0] =	vst v2  }
0xa8: {  	v35 =	vadd.f32 v38, v35;
	v36 =	vadd.f32 v42, v40;
	v37 =	vpop (erf);
	(erf) = vpow2.f32 v27;
	v38 =	vld [tilespmem:s29+$0x50C0]  }
0xa9: {  	v39 =	vadd.f32 v52, v34;
	v6 =	vadd.f32 $1.000000000e+00, v33;
	v40 =	vpop (erf);
	(erf) = vrcp.f32 v62;
	[tilespmem:s28+$0x7900] =	vst v3  }
0xaa: {  	v41 =	vadd.f32 $1.000000000e+00, v37;
	v21 =	vadd.f32 $1.000000000e+00, v40;
	(erf) = vrcp.f32 v28;
	v42 =	vld [tilespmem:s29+$0x50D0];
	v43 =	vpop (erf)  }
0xab: {  	v44 =	vld [tilespmem:s29+$0x50E0];
	(erf) = vrcp.f32 v6;
	v15 =	vadd.f32 v60, v56;
	v45 =	vadd.f32 $1.000000000e+00, v43  }
0xac: {  	(erf) = vrcp.f32 v41;
	v3 =	vadd.f32 v14, v63;
	v46 =	vpop (erf);
	v17 =	vadd.f32 v30, v29  }
0xad: {  	(erf) = vrcp.f32 v21;
	v47 =	vpop (erf);
	v14 =	vadd.f32 $1.000000000e+00, v46;
	v20 =	vadd.f32 v38, v31  }
0xae: {  	v48 =	vld [tilespmem:s29+$0x50F0];
	(erf) = vrcp.f32 v45;
	v49 =	vadd.f32 $1.000000000e+00, v47;
	v50 =	vsub.f32 $0.0e+00, v3  }
0xaf: {  	v51 =	vld [tilespmem:s29+$0x5100];
	v2 =	vadd.f32 v42, v35;
	(erf) = vrcp.f32 v14;
	v52 =	vsub.f32 $0.0e+00, v17  }
0xb0: {  	v4 =	vadd.f32 v44, v36;
	v53 =	vmul.f32 $1.442695020e+00, v50;
	v54 =	vsub.f32 $0.0e+00, v20  }
0xb1: {  	v55 =	vpop (erf);
	(erf) = vrcp.f32 v49;
	v10 =	vmul.f32 $1.442695020e+00, v52;
	v56 =	vsub.f32 $0.0e+00, v2  }
0xb2: {  	v57 =	vpop (erf);
	v58 =	vsub.f32 $0.0e+00, v4;
	v14 =	vmul.f32 $1.442695020e+00, v54;
	(erf) = vpow2.f32 v53  }
0xb3: {  	v16 =	vadd.f32 v48, v39;
	v59 =	vpop (erf);
	v18 =	vmul.f32 $1.442695020e+00, v56;
	(erf) = vpow2.f32 v10  }
0xb4: {  	v15 =	vadd.f32 v51, v15;
	v60 =	vpop (erf);
	v61 =	vmul.f32 $1.442695020e+00, v58;
	(erf) = vpow2.f32 v14  }
0xb5: {  	v62 =	vsub.f32 $0.0e+00, v16;
	v63 =	vpop (erf);
	(erf) = vpow2.f32 v18  }
0xb6: {  	v29 =	vsub.f32 $0.0e+00, v15;
	v30 =	vpop (erf);
	(erf) = vpow2.f32 v61  }
0xb7: {  	v14 =	vmul.f32 $1.442695020e+00, v62;
	v31 =	vpop (erf)  }
0xb8: {  	v18 =	vmul.f32 $1.442695020e+00, v29;
	v32 =	vpop (erf)  }
0xb9: {  	(erf) = vpow2.f32 v14;
	v33 =	vpop (erf)  }
0xba: {  	v34 =	vadd.f32 $1.000000000e+00, v55;
	(erf) = vpow2.f32 v18;
	v35 =	vpop (erf)  }
0xbb: {  	v36 =	vadd.f32 $1.000000000e+00, v57;
	v37 =	vpop (erf)  }
0xbc: {  	(erf) = vrcp.f32 v34;
	v38 =	vadd.f32 $1.000000000e+00, v37;
	v39 =	vpop (erf)  }
0xbd: {  	(erf) = vrcp.f32 v36;
	v40 =	vadd.f32 $1.000000000e+00, v39;
	v41 =	vpop (erf)  }
0xbe: {  	v24 =	vadd.f32 $1.000000000e+00, v41;
	(erf) = vrcp.f32 v38;
	v42 =	vpop (erf)  }
0xbf: {  	v14 =	vadd.f32 $1.000000000e+00, v42;
	(erf) = vrcp.f32 v40;
	v43 =	vpop (erf)  }
0xc0: {  	v44 =	vmul.f32 v63, v8;
	(erf) = vrcp.f32 v24;
	v18 =	vadd.f32 $1.000000000e+00, v43  }
0xc1: {  	v45 =	vmul.f32 v30, v11;
	(erf) = vrcp.f32 v14  }
0xc2: {  	[tilespmem:s26+$0x78A0] =	vst v44;
	v46 =	vmul.f32 v35, v22;
	v47 =	vpop (erf);
	(erf) = vrcp.f32 v18  }
0xc3: {  	v48 =	vmul.f32 v31, v12;
	[tilespmem:s26+$0x78B0] =	vst v45;
	v49 =	vpop (erf);
	v8 =	vadd.f32 $1.000000000e+00, v47  }
0xc4: {  	v9 =	vmul.f32 v32, v9;
	[tilespmem:s29+$0x7910] =	vst v46;
	v12 =	vadd.f32 $1.000000000e+00, v49  }
0xc5: {  	v50 =	vmul.f32 v33, v13;
	[tilespmem:s26+$0x78C0] =	vst v48;
	v51 =	vpop (erf);
	(erf) = vrcp.f32 v8  }
0xc6: {  	v0 =	vmul.f32 v59, v0;
	[tilespmem:s26+$0x78D0] =	vst v9;
	v52 =	vpop (erf);
	(erf) = vrcp.f32 v12  }
0xc7: {  	v1 =	vmul.f32 v60, v1;
	[tilespmem:s26+$0x78E0] =	vst v50;
	v53 =	vpop (erf)  }
0xc8: {  	[tilespmem:s25+$0x78F0] =	vst v0;
	v54 =	vpop (erf);
	v3 =	vmul.f32 v53, v3  }
0xc9: {  	[tilespmem:s25+$0x7900] =	vst v1;
	v55 =	vpop (erf);
	v0 =	vmul.f32 v54, v17  }
0xca: {  	v56 =	vpop (erf);
	[tilespmem:s29+$0x78A0] =	vst v3;
	v1 =	vmul.f32 v55, v20  }
0xcb: {  	v57 =	vpop (erf);
	[tilespmem:s29+$0x78B0] =	vst v0;
	v58 =	vmul.f32 v56, v2  }
0xcc: {  	[tilespmem:s29+$0x78C0] =	vst v1;
	v59 =	vmul.f32 v57, v4  }
0xcd: {  	v60 =	vmul.f32 v51, v7;
	[tilespmem:s29+$0x78D0] =	vst v58  }
0xce: {  	v61 =	vmul.f32 v52, v5;
	v62 =	vpop (erf);
	[tilespmem:s29+$0x78E0] =	vst v59  }
0xcf: {  	v63 =	vpop (erf);
	v2 =	vmul.f32 v62, v16;
	[tilespmem:s26+$0x78F0] =	vst v60  }
0xd0: {  	s24 =	sadd.s32 $0x1, s24;
	[tilespmem:s26+$0x7900] =	vst v61;
	v0 =	vmul.f32 v63, v15  }
0xd1: {  	p0 =	sne.s32 s24, $0x7D;
	[tilespmem:s29+$0x78F0] =	vst v2  }
.Ltmp1:
0xd2: {  	[tilespmem:s29+$0x7900] =	vst v0;
	(pc) =	sbr.rel @p0 .LBB2_2-.Ltmp1, $4  }
0xd3: {  	[spmem:s3] =	stream.indirect.scatter.add.f32 [tilespmem:s23], [sflag:$0x4], $0x80, s16, s16, $0xb8;
	[tilespmem:$0x1D920] =	vst v63  }
0xd4: {  	_ =	swait.ge [sflag:s15], $0x2800  }
0xd5: {  	[sflag:s15] =	ssyncset.done $0x0  }
0xd6: {  	[sflag:s15] =	ssyncadd.s32 $0xFFFFD800  }
0xd7: {  	s4 =	sadd.s32 $0x1, s4  }
0xd8: {  	p0 =	sne.s32 s4, s13  }
.Ltmp2:
0xd9: {  	[bflag:$0x0] =	sbarrier.arrive $0xFFFF;
	(pc) =	sbr.rel @p0 .LBB2_1-.Ltmp2, $4  }
0xda: {  	[hbm:s12], [sflag:s10] =	dma.local [spmem:s14], $0x2710  }
0xdb: {  	_ =	swait.ge [sflag:s15], $0x2710  }
0xdc: {  	[sflag:s15] =	ssyncset.done $0x0  }
0xdd: {  	[sflag:s15] =	ssyncadd.s32 $0xFFFFD8F0  }
0xde: {  	_ =	sfence.sel $0x180000  }
0xdf: {  	[bflag:$0x0] =	sbarrier.arrive $0xFFFF  }
0xe0: {  	p0 =	sne.s32 s2, $0x0;
	_ =	strace $0x9000004A  }
0xe1: {  	s0 =	sadd.s32 @!p0 $0x100000, s0;
	[bflag:$0x2] =	sbarrier.arrive $0xFFFF  }
0xe2: {  	[sflag:s0] =	ssyncadd.tile.s32 @!p0 $0x1;
	_ =	shalt  }
.Lfunc_end2:
_tile_overlayer_lowered:
.L_overlay_start_2:
0xe3: {  	(tag) =	ssettag $0x2  }
0xe4: {  	s0 =	rddreg [dreg:$0x0];
	s2 =	stileid.u32  }
0xe5: {  	s1 =	rddreg [dreg:$0x1];
	p0 =	sne.s32 s2, $0x0  }
0xe6: {  	s3 =	rddreg [dreg:$0x2];
	[bflag:$0x3] =	sbarrier.arrive $0xFFFF;
	s2 =	simm.s32 @!p0 $0x1C04  }
0xe7: {  	[timem:s3], [sflag:s2] =	dma.local @!p0 [hbm:s0], s1  }
0xe8: {  	s0 =	simm.s32 @!p0 $0x4  }
0xe9: {  	_ =	swait.ge @!p0 [sflag:s0], s1  }
0xea: {  	s1 =	ssub.s32 @!p0 $0x0, s1;
	[sflag:s0] =	ssyncset.done @!p0 $0x0  }
0xeb: {  	[sflag:s0] =	ssyncadd.s32 @!p0 s1  }
0xec: {  	[bflag:$0x3] =	sbarrier.arrive $0xFFFF  }
0xed: {  	_ =	shalt  }

</sc_bundles>
